<compile_context>
chip_gen: v7x
topology: tpu7x:2x2x1
jax: 0.10.2.dev20260603
libtpu: 0.0.44.dev20260713+nightly
codegen_flags: <defaults>
</compile_context>

<pallas_src>
import functools

import jax
import jax.numpy as jnp
from jax import lax
from jax.experimental import pallas as pl
from jax.experimental.pallas import tpu as pltpu
from jax.experimental.pallas import tpu_sc as plsc

N = 10000
E = 320000
D_IN = 128
D = 256

NC = 2
NS = 16
LANES = 16

GCOLS = 4
NGRP = D // GCOLS
GPW = NGRP // (NC * NS)
ECH = 4000
NECH = E // ECH
EPW = E // (NC * NS)


@functools.cache
def _mesh():
  return plsc.VectorSubcoreMesh(
      core_axis_name="c", subcore_axis_name="s", num_cores=NC,
      num_subcores=NS)


def _deg_body(dst_flat, out, dst_v, hist_v):
  c = lax.axis_index("c")
  s = lax.axis_index("s")
  wid = s * NC + c

  def zero_body(i, _):
    hist_v[pl.ds(i * LANES, LANES)] = jnp.zeros((LANES,), jnp.float32)
    return 0

  lax.fori_loop(0, N // LANES, zero_body, 0)
  pltpu.sync_copy(dst_flat.at[pl.ds(wid * EPW, EPW)], dst_v)

  ones = jnp.ones((LANES,), jnp.float32)

  def body(i, _):
    idx = dst_v[pl.ds(i * LANES, LANES)]
    plsc.addupdate_scatter(hist_v, [idx], ones)
    return 0

  lax.fori_loop(0, EPW // LANES, body, 0)
  pltpu.sync_copy(hist_v, out.at[wid, 0])


@functools.cache
def _deg_kernel():
  return pl.kernel(
      _deg_body,
      out_type=jax.ShapeDtypeStruct((NC * NS, 1, N), jnp.float32),
      mesh=_mesh(),
      scratch_types=[
          pltpu.VMEM((EPW,), jnp.int32),
          pltpu.VMEM((N,), jnp.float32),
      ],
      compiler_params=pltpu.CompilerParams(needs_layout_passes=False),
  )


def _agg_body(hpt, src_r, dst_r, out, t0, t1, t2, t3, a0, a1, a2, a3, src_v,
              dst_v, sem):
  c = lax.axis_index("c")
  s = lax.axis_index("s")
  widx = c * NS + s
  tabs = (t0, t1, t2, t3)
  accs = (a0, a1, a2, a3)

  for g in range(GPW):
    gb = g * (NC * NS) + widx
    for ci in range(GCOLS):
      pltpu.sync_copy(hpt.at[gb, ci, 0], tabs[ci])

    def zero_body(i, _):
      for ci in range(GCOLS):
        accs[ci][pl.ds(i * LANES, LANES)] = jnp.zeros((LANES,), jnp.float32)
      return 0

    lax.fori_loop(0, N // LANES, zero_body, 0)

    def idx_copy(ch, par):
      return (
          pltpu.make_async_copy(
              src_r.at[ch, 0], src_v.at[pl.ds(par * ECH, ECH)], sem),
          pltpu.make_async_copy(
              dst_r.at[ch, 0], dst_v.at[pl.ds(par * ECH, ECH)], sem),
      )

    for cp in idx_copy(0, 0):
      cp.start()

    def chunk_body(ch, _):
      par = lax.rem(ch, 2)
      for cp in idx_copy(ch, par):
        cp.wait()

      @pl.when(ch + 1 < NECH)
      def _():
        for cp in idx_copy(ch + 1, 1 - par):
          cp.start()

      base = par * ECH

      @plsc.parallel_loop(0, ECH // LANES, unroll=5)
      def _(v):
        o = base + v * LANES
        sv = src_v[pl.ds(o, LANES)]
        dv = dst_v[pl.ds(o, LANES)]
        for ci in range(GCOLS):
          vals = plsc.load_gather(tabs[ci], [sv])
          plsc.addupdate_scatter(accs[ci], [dv], vals)

      return 0

    lax.fori_loop(0, NECH, chunk_body, 0)
    for ci in range(GCOLS):
      pltpu.sync_copy(accs[ci], out.at[gb, ci, 0])


@functools.cache
def _agg_kernel():
  return pl.kernel(
      _agg_body,
      out_type=jax.ShapeDtypeStruct((NGRP, GCOLS, 1, N), jnp.float32),
      mesh=_mesh(),
      scratch_types=[pltpu.VMEM((N,), jnp.float32)] * (2 * GCOLS) + [
          pltpu.VMEM((2 * ECH,), jnp.int32),
          pltpu.VMEM((2 * ECH,), jnp.int32),
          pltpu.SemaphoreType.DMA,
      ],
      compiler_params=pltpu.CompilerParams(needs_layout_passes=False),
  )


def _dinv_body(parts_ref, o_ref):
  parts = jnp.squeeze(parts_ref[...], axis=1)
  ones = jnp.ones((1, NC * NS), jnp.float32)
  deg = lax.dot_general(ones, parts, (((1,), (0,)), ((), ())),
                        preferred_element_type=jnp.float32)
  o_ref[...] = lax.rsqrt(deg + 1.0)


def _tc_dinv(parts):
  return pl.pallas_call(
      _dinv_body,
      out_shape=jax.ShapeDtypeStruct((1, N), jnp.float32),
  )(parts)


def _mmt_body(xt_ref, w_ref, dinv_ref, o_ref):
  xs = xt_ref[...] * dinv_ref[...]
  ht = lax.dot_general(w_ref[...], xs, (((0,), (0,)), ((), ())),
                       preferred_element_type=jnp.float32)
  o_ref[...] = ht.reshape(o_ref.shape)


def _tc_mmt(xt, w, dinv_r):
  return pl.pallas_call(
      _mmt_body,
      out_shape=jax.ShapeDtypeStruct((NGRP, GCOLS, N), jnp.float32),
  )(xt, w, dinv_r)


def _comb_body(st_ref, hpt_ref, dinv_ref, b_ref, o_ref):
  tt = st_ref[...].reshape(D, N) + hpt_ref[...].reshape(D, N)
  o_ref[...] = tt * dinv_ref[...] + b_ref[...]


def _tc_comb(st, hpt, dinv_r, b_col):
  return pl.pallas_call(
      _comb_body,
      out_shape=jax.ShapeDtypeStruct((D, N), jnp.float32),
  )(st, hpt, dinv_r, b_col)


def _lnt_body(t_ref, g_ref, be_ref, fln_ref, fres_ref, xt_ref, o_ref):
  t = t_ref[...]
  ones = jnp.ones((1, D), jnp.float32)
  mu = lax.dot_general(ones, t, (((1,), (0,)), ((), ())),
                       preferred_element_type=jnp.float32) / D
  d = t - mu
  var = lax.dot_general(ones, d * d, (((1,), (0,)), ((), ())),
                        preferred_element_type=jnp.float32) / D
  y = d * lax.rsqrt(var + 1e-5) * g_ref[...] + be_ref[...]
  y = jnp.maximum(y, 0.0)
  fln = fln_ref[...]
  o_ref[...] = fln * y + (1.0 - fln) * t + fres_ref[...] * xt_ref[...]


def _tc_lnt(t, g_col, be_col, fln, fres, xt):
  return pl.pallas_call(
      _lnt_body,
      out_shape=jax.ShapeDtypeStruct((D, N), jnp.float32),
  )(t, g_col, be_col, fln, fres, xt)


def _trans_body(xt_ref, o_ref):
  o_ref[...] = xt_ref[...].T


def _tc_trans(xt):
  return pl.pallas_call(
      _trans_body,
      out_shape=jax.ShapeDtypeStruct((N, D), jnp.float32),
  )(xt)


def kernel(features, edge_index, W0, b0, W1, b1, W2, b2, g0, be0, g1, be1):
  src_r = edge_index[0].reshape(NECH, 1, ECH)
  dst_r = edge_index[1].reshape(NECH, 1, ECH)
  dst_flat = edge_index[1]

  parts = _deg_kernel()(dst_flat)
  dinv_r = _tc_dinv(parts)

  x0t = jnp.pad(features, ((0, 0), (0, D - D_IN))).T
  W0p = jnp.zeros((D, D), jnp.float32).at[:D_IN].set(W0)
  Ws = jnp.stack([W0p, W1, W2])
  bs = jnp.stack([b0, b1, b2]).reshape(3, D, 1)
  gs = jnp.stack([g0, g1, jnp.ones((D,), jnp.float32)]).reshape(3, D, 1)
  bes = jnp.stack([be0, be1, jnp.zeros((D,), jnp.float32)]).reshape(3, D, 1)
  flns = jnp.array([1.0, 1.0, 0.0], jnp.float32).reshape(3, 1, 1)
  fress = jnp.array([0.0, 1.0, 0.0], jnp.float32).reshape(3, 1, 1)

  def layer(xt, params):
    w, b, g, be, fln, fres = params
    hpt = _tc_mmt(xt, w, dinv_r)
    hpt4 = hpt.reshape(NGRP, GCOLS, 1, N)
    st4 = _agg_kernel()(hpt4, src_r, dst_r)
    st = st4.reshape(NGRP, GCOLS, N)
    t = _tc_comb(st, hpt, dinv_r, b)
    xt_next = _tc_lnt(t, g, be, fln, fres, xt)
    return xt_next, None

  xt_out, _ = lax.scan(layer, x0t, (Ws, bs, gs, bes, flns, fress))
  return _tc_trans(xt_out)

# --- scband reference (transcript-rebuilt; emitter-appended) ---
"""Pipeline reference for scband-node-encoder-65721589563627 (READ-ONLY COPY).

The authoritative reference and input builder live on the scoring server;
editing this copy changes nothing except your own understanding.
"""

import jax, jax.numpy as jnp
import numpy as np

N = 10000
E = 320000
D_IN = 128
D = 256


def setup_inputs(seed: int = 0) -> dict:
    key = jax.random.key(seed)
    ks = jax.random.split(key, 12)
    features = jax.random.normal(ks[0], (N, D_IN), dtype=jnp.float32)
    edge_index = jax.random.randint(ks[1], (2, E), 0, N, dtype=jnp.int32)
    W0 = jax.random.normal(ks[2], (D_IN, D), dtype=jnp.float32) * (2.0 / D_IN) ** 0.5
    b0 = jnp.zeros((D,), dtype=jnp.float32)
    W1 = jax.random.normal(ks[3], (D, D), dtype=jnp.float32) * (2.0 / D) ** 0.5
    b1 = jnp.zeros((D,), dtype=jnp.float32)
    W2 = jax.random.normal(ks[4], (D, D), dtype=jnp.float32) * (2.0 / D) ** 0.5
    b2 = jnp.zeros((D,), dtype=jnp.float32)
    g0 = jnp.ones((D,), dtype=jnp.float32)
    be0 = jnp.zeros((D,), dtype=jnp.float32)
    g1 = jnp.ones((D,), dtype=jnp.float32)
    be1 = jnp.zeros((D,), dtype=jnp.float32)
    return {"features": features, "edge_index": edge_index, "W0": W0, "b0": b0,
            "W1": W1, "b1": b1, "W2": W2, "b2": b2,
            "g0": g0, "be0": be0, "g1": g1, "be1": be1}


def _layer_norm(x, g, b):
    mu = jnp.mean(x, axis=-1, keepdims=True)
    var = jnp.var(x, axis=-1, keepdims=True)
    return (x - mu) / jnp.sqrt(var + 1e-5) * g + b


def _gcn_conv(x, W, b, src, dst, dinv):
    # GCNConv with symmetric normalization and implicit self-loops:
    # out = D^{-1/2}(A+I)D^{-1/2} (x W) + b
    h = x @ W
    norm_e = (dinv[src] * dinv[dst])[:, None]
    msg = jnp.take(h, src, axis=0) * norm_e
    agg = jax.ops.segment_sum(msg, dst, num_segments=N)
    agg = agg + h * (dinv * dinv)[:, None]  # self-loop contribution
    return agg + b


def reference(features, edge_index, W0, b0, W1, b1, W2, b2, g0, be0, g1, be1):
    src = edge_index[0]
    dst = edge_index[1]
    deg = jax.ops.segment_sum(jnp.ones((E,), dtype=jnp.float32), dst, num_segments=N) + 1.0
    dinv = jax.lax.rsqrt(deg)
    # layer 0: 128 -> 256 (no residual, dims differ)
    h = _gcn_conv(features, W0, b0, src, dst, dinv)
    h = _layer_norm(h, g0, be0)
    h = jax.nn.relu(h)
    x = h
    # layer 1: 256 -> 256 (residual)
    h = _gcn_conv(x, W1, b1, src, dst, dinv)
    h = _layer_norm(h, g1, be1)
    h = jax.nn.relu(h)
    h = h + x
    x = h
    # layer 2 (final): 256 -> 256, no norm/relu after final layer
    out = _gcn_conv(x, W2, b2, src, dst, dinv)
    return out

if __name__ == "__main__":
    import jax
    _d = setup_inputs()
    print(jax.jit(kernel)(*tuple(_d.values())))

</pallas_src>

<mosaic_0001>
#map = affine_map<(d0, d1) -> (0)>
#map1 = affine_map<(d0, d1) -> (0, 0, 0)>
module attributes {stable_mosaic.version = 14 : i64} {
  func.func @_deg_body(%arg0: i32, %arg1: i32, %arg2: memref<320000xi32, #tpu.memory_space<hbm>>, %arg3: memref<32x1x10000xf32, #tpu.memory_space<hbm>>, %arg4: memref<10000xi32, #tpu.memory_space<vmem>>, %arg5: memref<10000xf32, #tpu.memory_space<vmem>>) attributes {dimension_semantics = [#tpu.dimension_semantics<core_parallel>, #tpu.dimension_semantics<subcore_parallel>], iteration_bounds = array<i64: 2, 16>, scalar_prefetch = 0 : i64, scratch_operands = 2 : i64, tpu.core_type = #tpu.core_type<sc_vector_subcore>, window_params = [{transform_indices = #map}, {transform_indices = #map1}]} {
    %mul3A = arith.constant 2 : i32
    %mul3A_0 = arith.muli %arg1, %mul3A : i32
    %add3A = arith.addi %mul3A_0, %arg0 : i32
    %scan3A = arith.constant 0 : i32
    %scan3A_1 = arith.constant 0 : i32
    %scan3A_2 = arith.constant 625 : i32
    %scan3A_3 = arith.addi %scan3A_1, %scan3A_2 : i32
    %scan3A_4 = arith.constant 1 : i32
    %scan3A_5 = scf.for %scan3A_17 = %scan3A_1 to %scan3A_3 step %scan3A_4 iter_args(%scan3A_18 = %scan3A) -> (i32)  : i32 {
      %broadcast_in_dim3A_19 = arith.constant 0.000000e+00 : f32
      %broadcast_in_dim3A_20 = vector.broadcast %broadcast_in_dim3A_19 : f32 to vector<16xf32>
      %mul3A_21 = arith.constant 16 : i32
      %mul3A_22 = arith.muli %scan3A_17, %mul3A_21 : i32
      %swap3A = arith.index_cast %mul3A_22 : i32 to index
      %swap3A_23 = tpu.vector_load %arg5[%swap3A] {strides = array<i32>} : memref<10000xf32, #tpu.memory_space<vmem>>, vector<16xf32>,
      tpu.vector_store %arg5[%swap3A], %broadcast_in_dim3A_20 {strides = array<i32>} : memref<10000xf32, #tpu.memory_space<vmem>>, vector<16xf32>,
      %scan3A_24 = arith.constant 0 : i32
      scf.yield %scan3A_24 : i32
    }
    %scan3A_6 = arith.constant 625 : i32
    %mul3A_7 = arith.constant 10000 : i32
    %mul3A_8 = arith.muli %add3A, %mul3A_7 : i32
    "tpu.region"() ({
      %run_scoped3A_17 = tpu.sem_alloc : memref<!tpu.dma_semaphore, #tpu.memory_space<semaphore_mem>>
      %dma_start3A = tpu.memref_slice %arg2[%mul3A_8] : memref<320000xi32, #tpu.memory_space<hbm>> -> memref<10000xi32, #tpu.memory_space<hbm>>
      %dma_start3A_18 = tpu.memref_slice %arg2[%mul3A_8] : memref<320000xi32, #tpu.memory_space<hbm>> -> memref<10000xi32, #tpu.memory_space<hbm>>
      tpu.enqueue_dma source(%dma_start3A_18 : memref<10000xi32, #tpu.memory_space<hbm>>) target(%arg4 : memref<10000xi32, #tpu.memory_space<vmem>>) target_semaphore(%run_scoped3A_17 : memref<!tpu.dma_semaphore, #tpu.memory_space<semaphore_mem>>)
      %dma_wait3A = tpu.memref_slice %arg2[%mul3A_8] : memref<320000xi32, #tpu.memory_space<hbm>> -> memref<10000xi32, #tpu.memory_space<hbm>>
      %dma_wait3A_19 = tpu.memref_slice %arg2[%mul3A_8] : memref<320000xi32, #tpu.memory_space<hbm>> -> memref<10000xi32, #tpu.memory_space<hbm>>
      tpu.wait_dma2 semaphore(%run_scoped3A_17 : memref<!tpu.dma_semaphore, #tpu.memory_space<semaphore_mem>>) src(%dma_wait3A_19 : memref<10000xi32, #tpu.memory_space<hbm>>) dst(%arg4 : memref<10000xi32, #tpu.memory_space<vmem>>)
      tpu.yield
    }) : () -> ()
    %broadcast_in_dim3A = arith.constant 1.000000e+00 : f32
    %broadcast_in_dim3A_9 = vector.broadcast %broadcast_in_dim3A : f32 to vector<16xf32>
    %scan3A_10 = arith.constant 0 : i32
    %scan3A_11 = arith.constant 0 : i32
    %scan3A_12 = arith.constant 625 : i32
    %scan3A_13 = arith.addi %scan3A_11, %scan3A_12 : i32
    %scan3A_14 = arith.constant 1 : i32
    %scan3A_15 = scf.for %scan3A_17 = %scan3A_11 to %scan3A_13 step %scan3A_14 iter_args(%scan3A_18 = %scan3A_10) -> (i32)  : i32 {
      %mul3A_19 = arith.constant 16 : i32
      %mul3A_20 = arith.muli %scan3A_17, %mul3A_19 : i32
      %get3A = arith.index_cast %mul3A_20 : i32 to index
      %get3A_21 = tpu.vector_load %arg4[%get3A] {strides = array<i32>} : memref<10000xi32, #tpu.memory_space<vmem>>, vector<16xi32>,
      tpu.vector_store_idx %arg5[%get3A_21], %broadcast_in_dim3A_9 {add = true} : memref<10000xf32, #tpu.memory_space<vmem>>[vector<16xi32>], vector<16xf32>,
      %scan3A_22 = arith.constant 0 : i32
      scf.yield %scan3A_22 : i32
    }
    %scan3A_16 = arith.constant 625 : i32
    %run_scoped3A = arith.constant 0 : i32
    "tpu.region"() ({
      %run_scoped3A_17 = tpu.sem_alloc : memref<!tpu.dma_semaphore, #tpu.memory_space<semaphore_mem>>
      %dma_start3A = arith.constant 0 : i32
      %dma_start3A_18 = tpu.memref_slice %arg3[%add3A, %run_scoped3A, %dma_start3A] : memref<32x1x10000xf32, #tpu.memory_space<hbm>> -> memref<1x1x10000xf32, #tpu.memory_space<hbm>>
      %dma_start3A_19 = tpu.memref_squeeze %dma_start3A_18 : memref<1x1x10000xf32, #tpu.memory_space<hbm>> -> memref<10000xf32, #tpu.memory_space<hbm>>
      %dma_start3A_20 = arith.constant 0 : i32
      %dma_start3A_21 = tpu.memref_slice %arg3[%add3A, %run_scoped3A, %dma_start3A_20] : memref<32x1x10000xf32, #tpu.memory_space<hbm>> -> memref<1x1x10000xf32, #tpu.memory_space<hbm>>
      %dma_start3A_22 = tpu.memref_squeeze %dma_start3A_21 : memref<1x1x10000xf32, #tpu.memory_space<hbm>> -> memref<10000xf32, #tpu.memory_space<hbm>>
      tpu.enqueue_dma source(%arg5 : memref<10000xf32, #tpu.memory_space<vmem>>) target(%dma_start3A_22 : memref<10000xf32, #tpu.memory_space<hbm>>) target_semaphore(%run_scoped3A_17 : memref<!tpu.dma_semaphore, #tpu.memory_space<semaphore_mem>>)
      %dma_wait3A = arith.constant 0 : i32
      %dma_wait3A_23 = tpu.memref_slice %arg3[%add3A, %run_scoped3A, %dma_wait3A] : memref<32x1x10000xf32, #tpu.memory_space<hbm>> -> memref<1x1x10000xf32, #tpu.memory_space<hbm>>
      %dma_wait3A_24 = tpu.memref_squeeze %dma_wait3A_23 : memref<1x1x10000xf32, #tpu.memory_space<hbm>> -> memref<10000xf32, #tpu.memory_space<hbm>>
      %dma_wait3A_25 = arith.constant 0 : i32
      %dma_wait3A_26 = tpu.memref_slice %arg3[%add3A, %run_scoped3A, %dma_wait3A_25] : memref<32x1x10000xf32, #tpu.memory_space<hbm>> -> memref<1x1x10000xf32, #tpu.memory_space<hbm>>
      %dma_wait3A_27 = tpu.memref_squeeze %dma_wait3A_26 : memref<1x1x10000xf32, #tpu.memory_space<hbm>> -> memref<10000xf32, #tpu.memory_space<hbm>>
      tpu.wait_dma2 semaphore(%run_scoped3A_17 : memref<!tpu.dma_semaphore, #tpu.memory_space<semaphore_mem>>) src(%arg5 : memref<10000xf32, #tpu.memory_space<vmem>>) dst(%dma_wait3A_27 : memref<10000xf32, #tpu.memory_space<hbm>>)
      tpu.yield
    }) : () -> ()
    return
  }
}

#map = affine_map<(d0, d1) -> (0, 0, 0, 0)>
#map1 = affine_map<(d0, d1) -> (0, 0, 0)>
module attributes {stable_mosaic.version = 14 : i64} {
  func.func @_agg_body(%arg0: i32, %arg1: i32, %arg2: memref<64x4x1x10000xf32, #tpu.memory_space<hbm>>, %arg3: memref<80x1x4000xi32, #tpu.memory_space<hbm>>, %arg4: memref<80x1x4000xi32, #tpu.memory_space<hbm>>, %arg5: memref<64x4x1x10000xf32, #tpu.memory_space<hbm>>, %arg6: memref<10000xf32, #tpu.memory_space<vmem>>, %arg7: memref<10000xf32, #tpu.memory_space<vmem>>, %arg8: memref<10000xf32, #tpu.memory_space<vmem>>, %arg9: memref<10000xf32, #tpu.memory_space<vmem>>, %arg10: memref<10000xf32, #tpu.memory_space<vmem>>, %arg11: memref<10000xf32, #tpu.memory_space<vmem>>, %arg12: memref<10000xf32, #tpu.memory_space<vmem>>, %arg13: memref<10000xf32, #tpu.memory_space<vmem>>, %arg14: memref<8000xi32, #tpu.memory_space<vmem>>, %arg15: memref<8000xi32, #tpu.memory_space<vmem>>, %arg16: memref<!tpu.dma_semaphore, #tpu.memory_space<semaphore_mem>>) attributes {dimension_semantics = [#tpu.dimension_semantics<core_parallel>, #tpu.dimension_semantics<subcore_parallel>], iteration_bounds = array<i64: 2, 16>, scalar_prefetch = 0 : i64, scratch_operands = 11 : i64, tpu.core_type = #tpu.core_type<sc_vector_subcore>, window_params = [{transform_indices = #map}, {transform_indices = #map1}, {transform_indices = #map1}, {transform_indices = #map}]} {
    %mul3A = arith.constant 16 : i32
    %mul3A_0 = arith.muli %arg0, %mul3A : i32
    %add3A = arith.addi %mul3A_0, %arg1 : i32
    %add3A_1 = arith.constant 0 : i32
    %add3A_2 = arith.addi %add3A_1, %add3A : i32
    %run_scoped3A = arith.constant 0 : i32
    %run_scoped3A_3 = arith.constant 0 : i32
    "tpu.region"() ({
      %run_scoped3A_110 = tpu.sem_alloc : memref<!tpu.dma_semaphore, #tpu.memory_space<semaphore_mem>>
      %dma_start3A_111 = arith.constant 0 : i32
      %dma_start3A_112 = tpu.memref_slice %arg2[%add3A_2, %run_scoped3A, %run_scoped3A_3, %dma_start3A_111] : memref<64x4x1x10000xf32, #tpu.memory_space<hbm>> -> memref<1x1x1x10000xf32, #tpu.memory_space<hbm>>
      %dma_start3A_113 = tpu.memref_squeeze %dma_start3A_112 : memref<1x1x1x10000xf32, #tpu.memory_space<hbm>> -> memref<10000xf32, #tpu.memory_space<hbm>>
      %dma_start3A_114 = arith.constant 0 : i32
      %dma_start3A_115 = tpu.memref_slice %arg2[%add3A_2, %run_scoped3A, %run_scoped3A_3, %dma_start3A_114] : memref<64x4x1x10000xf32, #tpu.memory_space<hbm>> -> memref<1x1x1x10000xf32, #tpu.memory_space<hbm>>
      %dma_start3A_116 = tpu.memref_squeeze %dma_start3A_115 : memref<1x1x1x10000xf32, #tpu.memory_space<hbm>> -> memref<10000xf32, #tpu.memory_space<hbm>>
      tpu.enqueue_dma source(%dma_start3A_116 : memref<10000xf32, #tpu.memory_space<hbm>>) target(%arg6 : memref<10000xf32, #tpu.memory_space<vmem>>) target_semaphore(%run_scoped3A_110 : memref<!tpu.dma_semaphore, #tpu.memory_space<semaphore_mem>>)
      %dma_wait3A = arith.constant 0 : i32
      %dma_wait3A_117 = tpu.memref_slice %arg2[%add3A_2, %run_scoped3A, %run_scoped3A_3, %dma_wait3A] : memref<64x4x1x10000xf32, #tpu.memory_space<hbm>> -> memref<1x1x1x10000xf32, #tpu.memory_space<hbm>>
      %dma_wait3A_118 = tpu.memref_squeeze %dma_wait3A_117 : memref<1x1x1x10000xf32, #tpu.memory_space<hbm>> -> memref<10000xf32, #tpu.memory_space<hbm>>
      %dma_wait3A_119 = arith.constant 0 : i32
      %dma_wait3A_120 = tpu.memref_slice %arg2[%add3A_2, %run_scoped3A, %run_scoped3A_3, %dma_wait3A_119] : memref<64x4x1x10000xf32, #tpu.memory_space<hbm>> -> memref<1x1x1x10000xf32, #tpu.memory_space<hbm>>
      %dma_wait3A_121 = tpu.memref_squeeze %dma_wait3A_120 : memref<1x1x1x10000xf32, #tpu.memory_space<hbm>> -> memref<10000xf32, #tpu.memory_space<hbm>>
      tpu.wait_dma2 semaphore(%run_scoped3A_110 : memref<!tpu.dma_semaphore, #tpu.memory_space<semaphore_mem>>) src(%dma_wait3A_121 : memref<10000xf32, #tpu.memory_space<hbm>>) dst(%arg6 : memref<10000xf32, #tpu.memory_space<vmem>>)
      tpu.yield
    }) : () -> ()
    %run_scoped3A_4 = arith.constant 1 : i32
    %run_scoped3A_5 = arith.constant 0 : i32
    "tpu.region"() ({
      %run_scoped3A_110 = tpu.sem_alloc : memref<!tpu.dma_semaphore, #tpu.memory_space<semaphore_mem>>
      %dma_start3A_111 = arith.constant 0 : i32
      %dma_start3A_112 = tpu.memref_slice %arg2[%add3A_2, %run_scoped3A_4, %run_scoped3A_5, %dma_start3A_111] : memref<64x4x1x10000xf32, #tpu.memory_space<hbm>> -> memref<1x1x1x10000xf32, #tpu.memory_space<hbm>>
      %dma_start3A_113 = tpu.memref_squeeze %dma_start3A_112 : memref<1x1x1x10000xf32, #tpu.memory_space<hbm>> -> memref<10000xf32, #tpu.memory_space<hbm>>
      %dma_start3A_114 = arith.constant 0 : i32
      %dma_start3A_115 = tpu.memref_slice %arg2[%add3A_2, %run_scoped3A_4, %run_scoped3A_5, %dma_start3A_114] : memref<64x4x1x10000xf32, #tpu.memory_space<hbm>> -> memref<1x1x1x10000xf32, #tpu.memory_space<hbm>>
      %dma_start3A_116 = tpu.memref_squeeze %dma_start3A_115 : memref<1x1x1x10000xf32, #tpu.memory_space<hbm>> -> memref<10000xf32, #tpu.memory_space<hbm>>
      tpu.enqueue_dma source(%dma_start3A_116 : memref<10000xf32, #tpu.memory_space<hbm>>) target(%arg7 : memref<10000xf32, #tpu.memory_space<vmem>>) target_semaphore(%run_scoped3A_110 : memref<!tpu.dma_semaphore, #tpu.memory_space<semaphore_mem>>)
      %dma_wait3A = arith.constant 0 : i32
      %dma_wait3A_117 = tpu.memref_slice %arg2[%add3A_2, %run_scoped3A_4, %run_scoped3A_5, %dma_wait3A] : memref<64x4x1x10000xf32, #tpu.memory_space<hbm>> -> memref<1x1x1x10000xf32, #tpu.memory_space<hbm>>
      %dma_wait3A_118 = tpu.memref_squeeze %dma_wait3A_117 : memref<1x1x1x10000xf32, #tpu.memory_space<hbm>> -> memref<10000xf32, #tpu.memory_space<hbm>>
      %dma_wait3A_119 = arith.constant 0 : i32
      %dma_wait3A_120 = tpu.memref_slice %arg2[%add3A_2, %run_scoped3A_4, %run_scoped3A_5, %dma_wait3A_119] : memref<64x4x1x10000xf32, #tpu.memory_space<hbm>> -> memref<1x1x1x10000xf32, #tpu.memory_space<hbm>>
      %dma_wait3A_121 = tpu.memref_squeeze %dma_wait3A_120 : memref<1x1x1x10000xf32, #tpu.memory_space<hbm>> -> memref<10000xf32, #tpu.memory_space<hbm>>
      tpu.wait_dma2 semaphore(%run_scoped3A_110 : memref<!tpu.dma_semaphore, #tpu.memory_space<semaphore_mem>>) src(%dma_wait3A_121 : memref<10000xf32, #tpu.memory_space<hbm>>) dst(%arg7 : memref<10000xf32, #tpu.memory_space<vmem>>)
      tpu.yield
    }) : () -> ()
    %run_scoped3A_6 = arith.constant 2 : i32
    %run_scoped3A_7 = arith.constant 0 : i32
    "tpu.region"() ({
      %run_scoped3A_110 = tpu.sem_alloc : memref<!tpu.dma_semaphore, #tpu.memory_space<semaphore_mem>>
      %dma_start3A_111 = arith.constant 0 : i32
      %dma_start3A_112 = tpu.memref_slice %arg2[%add3A_2, %run_scoped3A_6, %run_scoped3A_7, %dma_start3A_111] : memref<64x4x1x10000xf32, #tpu.memory_space<hbm>> -> memref<1x1x1x10000xf32, #tpu.memory_space<hbm>>
      %dma_start3A_113 = tpu.memref_squeeze %dma_start3A_112 : memref<1x1x1x10000xf32, #tpu.memory_space<hbm>> -> memref<10000xf32, #tpu.memory_space<hbm>>
      %dma_start3A_114 = arith.constant 0 : i32
      %dma_start3A_115 = tpu.memref_slice %arg2[%add3A_2, %run_scoped3A_6, %run_scoped3A_7, %dma_start3A_114] : memref<64x4x1x10000xf32, #tpu.memory_space<hbm>> -> memref<1x1x1x10000xf32, #tpu.memory_space<hbm>>
      %dma_start3A_116 = tpu.memref_squeeze %dma_start3A_115 : memref<1x1x1x10000xf32, #tpu.memory_space<hbm>> -> memref<10000xf32, #tpu.memory_space<hbm>>
      tpu.enqueue_dma source(%dma_start3A_116 : memref<10000xf32, #tpu.memory_space<hbm>>) target(%arg8 : memref<10000xf32, #tpu.memory_space<vmem>>) target_semaphore(%run_scoped3A_110 : memref<!tpu.dma_semaphore, #tpu.memory_space<semaphore_mem>>)
      %dma_wait3A = arith.constant 0 : i32
      %dma_wait3A_117 = tpu.memref_slice %arg2[%add3A_2, %run_scoped3A_6, %run_scoped3A_7, %dma_wait3A] : memref<64x4x1x10000xf32, #tpu.memory_space<hbm>> -> memref<1x1x1x10000xf32, #tpu.memory_space<hbm>>
      %dma_wait3A_118 = tpu.memref_squeeze %dma_wait3A_117 : memref<1x1x1x10000xf32, #tpu.memory_space<hbm>> -> memref<10000xf32, #tpu.memory_space<hbm>>
      %dma_wait3A_119 = arith.constant 0 : i32
      %dma_wait3A_120 = tpu.memref_slice %arg2[%add3A_2, %run_scoped3A_6, %run_scoped3A_7, %dma_wait3A_119] : memref<64x4x1x10000xf32, #tpu.memory_space<hbm>> -> memref<1x1x1x10000xf32, #tpu.memory_space<hbm>>
      %dma_wait3A_121 = tpu.memref_squeeze %dma_wait3A_120 : memref<1x1x1x10000xf32, #tpu.memory_space<hbm>> -> memref<10000xf32, #tpu.memory_space<hbm>>
      tpu.wait_dma2 semaphore(%run_scoped3A_110 : memref<!tpu.dma_semaphore, #tpu.memory_space<semaphore_mem>>) src(%dma_wait3A_121 : memref<10000xf32, #tpu.memory_space<hbm>>) dst(%arg8 : memref<10000xf32, #tpu.memory_space<vmem>>)
      tpu.yield
    }) : () -> ()
    %run_scoped3A_8 = arith.constant 3 : i32
    %run_scoped3A_9 = arith.constant 0 : i32
    "tpu.region"() ({
      %run_scoped3A_110 = tpu.sem_alloc : memref<!tpu.dma_semaphore, #tpu.memory_space<semaphore_mem>>
      %dma_start3A_111 = arith.constant 0 : i32
      %dma_start3A_112 = tpu.memref_slice %arg2[%add3A_2, %run_scoped3A_8, %run_scoped3A_9, %dma_start3A_111] : memref<64x4x1x10000xf32, #tpu.memory_space<hbm>> -> memref<1x1x1x10000xf32, #tpu.memory_space<hbm>>
      %dma_start3A_113 = tpu.memref_squeeze %dma_start3A_112 : memref<1x1x1x10000xf32, #tpu.memory_space<hbm>> -> memref<10000xf32, #tpu.memory_space<hbm>>
      %dma_start3A_114 = arith.constant 0 : i32
      %dma_start3A_115 = tpu.memref_slice %arg2[%add3A_2, %run_scoped3A_8, %run_scoped3A_9, %dma_start3A_114] : memref<64x4x1x10000xf32, #tpu.memory_space<hbm>> -> memref<1x1x1x10000xf32, #tpu.memory_space<hbm>>
      %dma_start3A_116 = tpu.memref_squeeze %dma_start3A_115 : memref<1x1x1x10000xf32, #tpu.memory_space<hbm>> -> memref<10000xf32, #tpu.memory_space<hbm>>
      tpu.enqueue_dma source(%dma_start3A_116 : memref<10000xf32, #tpu.memory_space<hbm>>) target(%arg9 : memref<10000xf32, #tpu.memory_space<vmem>>) target_semaphore(%run_scoped3A_110 : memref<!tpu.dma_semaphore, #tpu.memory_space<semaphore_mem>>)
      %dma_wait3A = arith.constant 0 : i32
      %dma_wait3A_117 = tpu.memref_slice %arg2[%add3A_2, %run_scoped3A_8, %run_scoped3A_9, %dma_wait3A] : memref<64x4x1x10000xf32, #tpu.memory_space<hbm>> -> memref<1x1x1x10000xf32, #tpu.memory_space<hbm>>
      %dma_wait3A_118 = tpu.memref_squeeze %dma_wait3A_117 : memref<1x1x1x10000xf32, #tpu.memory_space<hbm>> -> memref<10000xf32, #tpu.memory_space<hbm>>
      %dma_wait3A_119 = arith.constant 0 : i32
      %dma_wait3A_120 = tpu.memref_slice %arg2[%add3A_2, %run_scoped3A_8, %run_scoped3A_9, %dma_wait3A_119] : memref<64x4x1x10000xf32, #tpu.memory_space<hbm>> -> memref<1x1x1x10000xf32, #tpu.memory_space<hbm>>
      %dma_wait3A_121 = tpu.memref_squeeze %dma_wait3A_120 : memref<1x1x1x10000xf32, #tpu.memory_space<hbm>> -> memref<10000xf32, #tpu.memory_space<hbm>>
      tpu.wait_dma2 semaphore(%run_scoped3A_110 : memref<!tpu.dma_semaphore, #tpu.memory_space<semaphore_mem>>) src(%dma_wait3A_121 : memref<10000xf32, #tpu.memory_space<hbm>>) dst(%arg9 : memref<10000xf32, #tpu.memory_space<vmem>>)
      tpu.yield
    }) : () -> ()
    %scan3A = arith.constant 0 : i32
    %scan3A_10 = arith.constant 0 : i32
    %scan3A_11 = arith.constant 625 : i32
    %scan3A_12 = arith.addi %scan3A_10, %scan3A_11 : i32
    %scan3A_13 = arith.constant 1 : i32
    %scan3A_14 = scf.for %scan3A_110 = %scan3A_10 to %scan3A_12 step %scan3A_13 iter_args(%scan3A_111 = %scan3A) -> (i32)  : i32 {
      %broadcast_in_dim3A = arith.constant 0.000000e+00 : f32
      %broadcast_in_dim3A_112 = vector.broadcast %broadcast_in_dim3A : f32 to vector<16xf32>
      %mul3A_113 = arith.constant 16 : i32
      %mul3A_114 = arith.muli %scan3A_110, %mul3A_113 : i32
      %swap3A = arith.index_cast %mul3A_114 : i32 to index
      %swap3A_115 = tpu.vector_load %arg10[%swap3A] {strides = array<i32>} : memref<10000xf32, #tpu.memory_space<vmem>>, vector<16xf32>,
      tpu.vector_store %arg10[%swap3A], %broadcast_in_dim3A_112 {strides = array<i32>} : memref<10000xf32, #tpu.memory_space<vmem>>, vector<16xf32>,
      %broadcast_in_dim3A_116 = arith.constant 0.000000e+00 : f32
      %broadcast_in_dim3A_117 = vector.broadcast %broadcast_in_dim3A_116 : f32 to vector<16xf32>
      %mul3A_118 = arith.constant 16 : i32
      %mul3A_119 = arith.muli %scan3A_110, %mul3A_118 : i32
      %swap3A_120 = arith.index_cast %mul3A_119 : i32 to index
      %swap3A_121 = tpu.vector_load %arg11[%swap3A_120] {strides = array<i32>} : memref<10000xf32, #tpu.memory_space<vmem>>, vector<16xf32>,
      tpu.vector_store %arg11[%swap3A_120], %broadcast_in_dim3A_117 {strides = array<i32>} : memref<10000xf32, #tpu.memory_space<vmem>>, vector<16xf32>,
      %broadcast_in_dim3A_122 = arith.constant 0.000000e+00 : f32
      %broadcast_in_dim3A_123 = vector.broadcast %broadcast_in_dim3A_122 : f32 to vector<16xf32>
      %mul3A_124 = arith.constant 16 : i32
      %mul3A_125 = arith.muli %scan3A_110, %mul3A_124 : i32
      %swap3A_126 = arith.index_cast %mul3A_125 : i32 to index
      %swap3A_127 = tpu.vector_load %arg12[%swap3A_126] {strides = array<i32>} : memref<10000xf32, #tpu.memory_space<vmem>>, vector<16xf32>,
      tpu.vector_store %arg12[%swap3A_126], %broadcast_in_dim3A_123 {strides = array<i32>} : memref<10000xf32, #tpu.memory_space<vmem>>, vector<16xf32>,
      %broadcast_in_dim3A_128 = arith.constant 0.000000e+00 : f32
      %broadcast_in_dim3A_129 = vector.broadcast %broadcast_in_dim3A_128 : f32 to vector<16xf32>
      %mul3A_130 = arith.constant 16 : i32
      %mul3A_131 = arith.muli %scan3A_110, %mul3A_130 : i32
      %swap3A_132 = arith.index_cast %mul3A_131 : i32 to index
      %swap3A_133 = tpu.vector_load %arg13[%swap3A_132] {strides = array<i32>} : memref<10000xf32, #tpu.memory_space<vmem>>, vector<16xf32>,
      tpu.vector_store %arg13[%swap3A_132], %broadcast_in_dim3A_129 {strides = array<i32>} : memref<10000xf32, #tpu.memory_space<vmem>>, vector<16xf32>,
      %scan3A_134 = arith.constant 0 : i32
      scf.yield %scan3A_134 : i32
    }
    %scan3A_15 = arith.constant 625 : i32
    %dma_start3A = arith.constant 0 : i32
    %dma_start3A_16 = arith.constant 0 : i32
    %dma_start3A_17 = arith.constant 0 : i32
    %dma_start3A_18 = tpu.memref_slice %arg14[%dma_start3A_17] : memref<8000xi32, #tpu.memory_space<vmem>> -> memref<4000xi32, #tpu.memory_space<vmem>>
    %dma_start3A_19 = arith.constant 0 : i32
    %dma_start3A_20 = tpu.memref_slice %arg3[%dma_start3A, %dma_start3A_16, %dma_start3A_19] : memref<80x1x4000xi32, #tpu.memory_space<hbm>> -> memref<1x1x4000xi32, #tpu.memory_space<hbm>>
    %dma_start3A_21 = tpu.memref_squeeze %dma_start3A_20 : memref<1x1x4000xi32, #tpu.memory_space<hbm>> -> memref<4000xi32, #tpu.memory_space<hbm>>
    %dma_start3A_22 = arith.constant 0 : i32
    %dma_start3A_23 = tpu.memref_slice %arg14[%dma_start3A_22] : memref<8000xi32, #tpu.memory_space<vmem>> -> memref<4000xi32, #tpu.memory_space<vmem>>
    %dma_start3A_24 = arith.constant 0 : i32
    %dma_start3A_25 = tpu.memref_slice %arg3[%dma_start3A, %dma_start3A_16, %dma_start3A_24] : memref<80x1x4000xi32, #tpu.memory_space<hbm>> -> memref<1x1x4000xi32, #tpu.memory_space<hbm>>
    %dma_start3A_26 = tpu.memref_squeeze %dma_start3A_25 : memref<1x1x4000xi32, #tpu.memory_space<hbm>> -> memref<4000xi32, #tpu.memory_space<hbm>>
    tpu.enqueue_dma source(%dma_start3A_26 : memref<4000xi32, #tpu.memory_space<hbm>>) target(%dma_start3A_23 : memref<4000xi32, #tpu.memory_space<vmem>>) target_semaphore(%arg16 : memref<!tpu.dma_semaphore, #tpu.memory_space<semaphore_mem>>)
    %dma_start3A_27 = arith.constant 0 : i32
    %dma_start3A_28 = arith.constant 0 : i32
    %dma_start3A_29 = arith.constant 0 : i32
    %dma_start3A_30 = tpu.memref_slice %arg15[%dma_start3A_29] : memref<8000xi32, #tpu.memory_space<vmem>> -> memref<4000xi32, #tpu.memory_space<vmem>>
    %dma_start3A_31 = arith.constant 0 : i32
    %dma_start3A_32 = tpu.memref_slice %arg4[%dma_start3A_27, %dma_start3A_28, %dma_start3A_31] : memref<80x1x4000xi32, #tpu.memory_space<hbm>> -> memref<1x1x4000xi32, #tpu.memory_space<hbm>>
    %dma_start3A_33 = tpu.memref_squeeze %dma_start3A_32 : memref<1x1x4000xi32, #tpu.memory_space<hbm>> -> memref<4000xi32, #tpu.memory_space<hbm>>
    %dma_start3A_34 = arith.constant 0 : i32
    %dma_start3A_35 = tpu.memref_slice %arg15[%dma_start3A_34] : memref<8000xi32, #tpu.memory_space<vmem>> -> memref<4000xi32, #tpu.memory_space<vmem>>
    %dma_start3A_36 = arith.constant 0 : i32
    %dma_start3A_37 = tpu.memref_slice %arg4[%dma_start3A_27, %dma_start3A_28, %dma_start3A_36] : memref<80x1x4000xi32, #tpu.memory_space<hbm>> -> memref<1x1x4000xi32, #tpu.memory_space<hbm>>
    %dma_start3A_38 = tpu.memref_squeeze %dma_start3A_37 : memref<1x1x4000xi32, #tpu.memory_space<hbm>> -> memref<4000xi32, #tpu.memory_space<hbm>>
    tpu.enqueue_dma source(%dma_start3A_38 : memref<4000xi32, #tpu.memory_space<hbm>>) target(%dma_start3A_35 : memref<4000xi32, #tpu.memory_space<vmem>>) target_semaphore(%arg16 : memref<!tpu.dma_semaphore, #tpu.memory_space<semaphore_mem>>)
    %scan3A_39 = arith.constant 0 : i32
    %scan3A_40 = arith.constant 0 : i32
    %scan3A_41 = arith.constant 80 : i32
    %scan3A_42 = arith.addi %scan3A_40, %scan3A_41 : i32
    %scan3A_43 = arith.constant 1 : i32
    %scan3A_44 = scf.for %scan3A_110 = %scan3A_40 to %scan3A_42 step %scan3A_43 iter_args(%scan3A_111 = %scan3A_39) -> (i32)  : i32 {
      %rem3A = arith.constant 2 : i32
      %rem3A_112 = arith.remsi %scan3A_110, %rem3A : i32
      %mul3A_113 = arith.constant 4000 : i32
      %mul3A_114 = arith.muli %rem3A_112, %mul3A_113 : i32
      %mul3A_115 = arith.constant 4000 : i32
      %mul3A_116 = arith.muli %rem3A_112, %mul3A_115 : i32
      %dma_wait3A = arith.constant 0 : i32
      %dma_wait3A_117 = tpu.memref_slice %arg14[%mul3A_114] : memref<8000xi32, #tpu.memory_space<vmem>> -> memref<4000xi32, #tpu.memory_space<vmem>>
      %dma_wait3A_118 = arith.constant 0 : i32
      %dma_wait3A_119 = tpu.memref_slice %arg3[%scan3A_110, %dma_wait3A, %dma_wait3A_118] : memref<80x1x4000xi32, #tpu.memory_space<hbm>> -> memref<1x1x4000xi32, #tpu.memory_space<hbm>>
      %dma_wait3A_120 = tpu.memref_squeeze %dma_wait3A_119 : memref<1x1x4000xi32, #tpu.memory_space<hbm>> -> memref<4000xi32, #tpu.memory_space<hbm>>
      %dma_wait3A_121 = tpu.memref_slice %arg14[%mul3A_114] : memref<8000xi32, #tpu.memory_space<vmem>> -> memref<4000xi32, #tpu.memory_space<vmem>>
      %dma_wait3A_122 = arith.constant 0 : i32
      %dma_wait3A_123 = tpu.memref_slice %arg3[%scan3A_110, %dma_wait3A, %dma_wait3A_122] : memref<80x1x4000xi32, #tpu.memory_space<hbm>> -> memref<1x1x4000xi32, #tpu.memory_space<hbm>>
      %dma_wait3A_124 = tpu.memref_squeeze %dma_wait3A_123 : memref<1x1x4000xi32, #tpu.memory_space<hbm>> -> memref<4000xi32, #tpu.memory_space<hbm>>
      tpu.wait_dma2 semaphore(%arg16 : memref<!tpu.dma_semaphore, #tpu.memory_space<semaphore_mem>>) src(%dma_wait3A_124 : memref<4000xi32, #tpu.memory_space<hbm>>) dst(%dma_wait3A_121 : memref<4000xi32, #tpu.memory_space<vmem>>)
      %dma_wait3A_125 = arith.constant 0 : i32
      %dma_wait3A_126 = tpu.memref_slice %arg15[%mul3A_116] : memref<8000xi32, #tpu.memory_space<vmem>> -> memref<4000xi32, #tpu.memory_space<vmem>>
      %dma_wait3A_127 = arith.constant 0 : i32
      %dma_wait3A_128 = tpu.memref_slice %arg4[%scan3A_110, %dma_wait3A_125, %dma_wait3A_127] : memref<80x1x4000xi32, #tpu.memory_space<hbm>> -> memref<1x1x4000xi32, #tpu.memory_space<hbm>>
      %dma_wait3A_129 = tpu.memref_squeeze %dma_wait3A_128 : memref<1x1x4000xi32, #tpu.memory_space<hbm>> -> memref<4000xi32, #tpu.memory_space<hbm>>
      %dma_wait3A_130 = tpu.memref_slice %arg15[%mul3A_116] : memref<8000xi32, #tpu.memory_space<vmem>> -> memref<4000xi32, #tpu.memory_space<vmem>>
      %dma_wait3A_131 = arith.constant 0 : i32
      %dma_wait3A_132 = tpu.memref_slice %arg4[%scan3A_110, %dma_wait3A_125, %dma_wait3A_131] : memref<80x1x4000xi32, #tpu.memory_space<hbm>> -> memref<1x1x4000xi32, #tpu.memory_space<hbm>>
      %dma_wait3A_133 = tpu.memref_squeeze %dma_wait3A_132 : memref<1x1x4000xi32, #tpu.memory_space<hbm>> -> memref<4000xi32, #tpu.memory_space<hbm>>
      tpu.wait_dma2 semaphore(%arg16 : memref<!tpu.dma_semaphore, #tpu.memory_space<semaphore_mem>>) src(%dma_wait3A_133 : memref<4000xi32, #tpu.memory_space<hbm>>) dst(%dma_wait3A_130 : memref<4000xi32, #tpu.memory_space<vmem>>)
      %add3A_134 = arith.constant 1 : i32
      %add3A_135 = arith.addi %scan3A_110, %add3A_134 : i32
      %lt3A = arith.constant 80 : i32
      %lt3A_136 = arith.cmpi slt, %add3A_135, %lt3A : i32
      %convert_element_type3A = arith.extui %lt3A_136 : i1 to i32
      %cond3A = arith.constant 0 : i32
      %cond3A_137 = arith.cmpi ne, %convert_element_type3A, %cond3A : i32
      scf.if %cond3A_137 {
        %add3A_143 = arith.constant 1 : i32
        %add3A_144 = arith.addi %scan3A_110, %add3A_143 : i32
        %sub3A = arith.constant 1 : i32
        %sub3A_145 = arith.subi %sub3A, %rem3A_112 : i32
        %mul3A_146 = arith.constant 4000 : i32
        %mul3A_147 = arith.muli %sub3A_145, %mul3A_146 : i32
        %mul3A_148 = arith.constant 4000 : i32
        %mul3A_149 = arith.muli %sub3A_145, %mul3A_148 : i32
        %dma_start3A_150 = arith.constant 0 : i32
        %dma_start3A_151 = tpu.memref_slice %arg14[%mul3A_147] : memref<8000xi32, #tpu.memory_space<vmem>> -> memref<4000xi32, #tpu.memory_space<vmem>>
        %dma_start3A_152 = arith.constant 0 : i32
        %dma_start3A_153 = tpu.memref_slice %arg3[%add3A_144, %dma_start3A_150, %dma_start3A_152] : memref<80x1x4000xi32, #tpu.memory_space<hbm>> -> memref<1x1x4000xi32, #tpu.memory_space<hbm>>
        %dma_start3A_154 = tpu.memref_squeeze %dma_start3A_153 : memref<1x1x4000xi32, #tpu.memory_space<hbm>> -> memref<4000xi32, #tpu.memory_space<hbm>>
        %dma_start3A_155 = tpu.memref_slice %arg14[%mul3A_147] : memref<8000xi32, #tpu.memory_space<vmem>> -> memref<4000xi32, #tpu.memory_space<vmem>>
        %dma_start3A_156 = arith.constant 0 : i32
        %dma_start3A_157 = tpu.memref_slice %arg3[%add3A_144, %dma_start3A_150, %dma_start3A_156] : memref<80x1x4000xi32, #tpu.memory_space<hbm>> -> memref<1x1x4000xi32, #tpu.memory_space<hbm>>
        %dma_start3A_158 = tpu.memref_squeeze %dma_start3A_157 : memref<1x1x4000xi32, #tpu.memory_space<hbm>> -> memref<4000xi32, #tpu.memory_space<hbm>>
        tpu.enqueue_dma source(%dma_start3A_158 : memref<4000xi32, #tpu.memory_space<hbm>>) target(%dma_start3A_155 : memref<4000xi32, #tpu.memory_space<vmem>>) target_semaphore(%arg16 : memref<!tpu.dma_semaphore, #tpu.memory_space<semaphore_mem>>)
        %dma_start3A_159 = arith.constant 0 : i32
        %dma_start3A_160 = tpu.memref_slice %arg15[%mul3A_149] : memref<8000xi32, #tpu.memory_space<vmem>> -> memref<4000xi32, #tpu.memory_space<vmem>>
        %dma_start3A_161 = arith.constant 0 : i32
        %dma_start3A_162 = tpu.memref_slice %arg4[%add3A_144, %dma_start3A_159, %dma_start3A_161] : memref<80x1x4000xi32, #tpu.memory_space<hbm>> -> memref<1x1x4000xi32, #tpu.memory_space<hbm>>
        %dma_start3A_163 = tpu.memref_squeeze %dma_start3A_162 : memref<1x1x4000xi32, #tpu.memory_space<hbm>> -> memref<4000xi32, #tpu.memory_space<hbm>>
        %dma_start3A_164 = tpu.memref_slice %arg15[%mul3A_149] : memref<8000xi32, #tpu.memory_space<vmem>> -> memref<4000xi32, #tpu.memory_space<vmem>>
        %dma_start3A_165 = arith.constant 0 : i32
        %dma_start3A_166 = tpu.memref_slice %arg4[%add3A_144, %dma_start3A_159, %dma_start3A_165] : memref<80x1x4000xi32, #tpu.memory_space<hbm>> -> memref<1x1x4000xi32, #tpu.memory_space<hbm>>
        %dma_start3A_167 = tpu.memref_squeeze %dma_start3A_166 : memref<1x1x4000xi32, #tpu.memory_space<hbm>> -> memref<4000xi32, #tpu.memory_space<hbm>>
        tpu.enqueue_dma source(%dma_start3A_167 : memref<4000xi32, #tpu.memory_space<hbm>>) target(%dma_start3A_164 : memref<4000xi32, #tpu.memory_space<vmem>>) target_semaphore(%arg16 : memref<!tpu.dma_semaphore, #tpu.memory_space<semaphore_mem>>)
      } else {
      }
      %mul3A_138 = arith.constant 4000 : i32
      %mul3A_139 = arith.muli %rem3A_112, %mul3A_138 : i32
      %parallel_loop3A = arith.constant 0 : i32
      %parallel_loop3A_140 = arith.constant 250 : i32
      %parallel_loop3A_141 = arith.constant 1 : i32
      scf.for %parallel_loop3A_143 = %parallel_loop3A to %parallel_loop3A_140 step %parallel_loop3A_141  : i32 {
        %parallel_loop3A_144 = arith.constant 16 : i32
        %parallel_loop3A_145 = arith.muli %parallel_loop3A_143, %parallel_loop3A_144 : i32
        %parallel_loop3A_146 = arith.addi %mul3A_139, %parallel_loop3A_145 : i32
        %parallel_loop3A_147 = arith.index_cast %parallel_loop3A_146 : i32 to index
        %parallel_loop3A_148 = tpu.vector_load %arg14[%parallel_loop3A_147] {strides = array<i32>} : memref<8000xi32, #tpu.memory_space<vmem>>, vector<16xi32>,
        %parallel_loop3A_149 = arith.index_cast %parallel_loop3A_146 : i32 to index
        %parallel_loop3A_150 = tpu.vector_load %arg15[%parallel_loop3A_149] {strides = array<i32>} : memref<8000xi32, #tpu.memory_space<vmem>>, vector<16xi32>,
        %parallel_loop3A_151 = tpu.vector_load_idx %arg6[%parallel_loop3A_148] : memref<10000xf32, #tpu.memory_space<vmem>>[vector<16xi32>], vector<16xf32>,
        tpu.vector_store_idx %arg10[%parallel_loop3A_150], %parallel_loop3A_151 {add = true} : memref<10000xf32, #tpu.memory_space<vmem>>[vector<16xi32>], vector<16xf32>,
        %parallel_loop3A_152 = tpu.vector_load_idx %arg7[%parallel_loop3A_148] : memref<10000xf32, #tpu.memory_space<vmem>>[vector<16xi32>], vector<16xf32>,
        tpu.vector_store_idx %arg11[%parallel_loop3A_150], %parallel_loop3A_152 {add = true} : memref<10000xf32, #tpu.memory_space<vmem>>[vector<16xi32>], vector<16xf32>,
        %parallel_loop3A_153 = tpu.vector_load_idx %arg8[%parallel_loop3A_148] : memref<10000xf32, #tpu.memory_space<vmem>>[vector<16xi32>], vector<16xf32>,
        tpu.vector_store_idx %arg12[%parallel_loop3A_150], %parallel_loop3A_153 {add = true} : memref<10000xf32, #tpu.memory_space<vmem>>[vector<16xi32>], vector<16xf32>,
        %parallel_loop3A_154 = tpu.vector_load_idx %arg9[%parallel_loop3A_148] : memref<10000xf32, #tpu.memory_space<vmem>>[vector<16xi32>], vector<16xf32>,
        tpu.vector_store_idx %arg13[%parallel_loop3A_150], %parallel_loop3A_154 {add = true} : memref<10000xf32, #tpu.memory_space<vmem>>[vector<16xi32>], vector<16xf32>,
      } {sc.loop_unroll_factor = 5 : i64, sc.parallel_access}
      %scan3A_142 = arith.constant 0 : i32
      scf.yield %scan3A_142 : i32
    }
    %scan3A_45 = arith.constant 80 : i32
    %run_scoped3A_46 = arith.constant 0 : i32
    %run_scoped3A_47 = arith.constant 0 : i32
    "tpu.region"() ({
      %run_scoped3A_110 = tpu.sem_alloc : memref<!tpu.dma_semaphore, #tpu.memory_space<semaphore_mem>>
      %dma_start3A_111 = arith.constant 0 : i32
      %dma_start3A_112 = tpu.memref_slice %arg5[%add3A_2, %run_scoped3A_46, %run_scoped3A_47, %dma_start3A_111] : memref<64x4x1x10000xf32, #tpu.memory_space<hbm>> -> memref<1x1x1x10000xf32, #tpu.memory_space<hbm>>
      %dma_start3A_113 = tpu.memref_squeeze %dma_start3A_112 : memref<1x1x1x10000xf32, #tpu.memory_space<hbm>> -> memref<10000xf32, #tpu.memory_space<hbm>>
      %dma_start3A_114 = arith.constant 0 : i32
      %dma_start3A_115 = tpu.memref_slice %arg5[%add3A_2, %run_scoped3A_46, %run_scoped3A_47, %dma_start3A_114] : memref<64x4x1x10000xf32, #tpu.memory_space<hbm>> -> memref<1x1x1x10000xf32, #tpu.memory_space<hbm>>
      %dma_start3A_116 = tpu.memref_squeeze %dma_start3A_115 : memref<1x1x1x10000xf32, #tpu.memory_space<hbm>> -> memref<10000xf32, #tpu.memory_space<hbm>>
      tpu.enqueue_dma source(%arg10 : memref<10000xf32, #tpu.memory_space<vmem>>) target(%dma_start3A_116 : memref<10000xf32, #tpu.memory_space<hbm>>) target_semaphore(%run_scoped3A_110 : memref<!tpu.dma_semaphore, #tpu.memory_space<semaphore_mem>>)
      %dma_wait3A = arith.constant 0 : i32
      %dma_wait3A_117 = tpu.memref_slice %arg5[%add3A_2, %run_scoped3A_46, %run_scoped3A_47, %dma_wait3A] : memref<64x4x1x10000xf32, #tpu.memory_space<hbm>> -> memref<1x1x1x10000xf32, #tpu.memory_space<hbm>>
      %dma_wait3A_118 = tpu.memref_squeeze %dma_wait3A_117 : memref<1x1x1x10000xf32, #tpu.memory_space<hbm>> -> memref<10000xf32, #tpu.memory_space<hbm>>
      %dma_wait3A_119 = arith.constant 0 : i32
      %dma_wait3A_120 = tpu.memref_slice %arg5[%add3A_2, %run_scoped3A_46, %run_scoped3A_47, %dma_wait3A_119] : memref<64x4x1x10000xf32, #tpu.memory_space<hbm>> -> memref<1x1x1x10000xf32, #tpu.memory_space<hbm>>
      %dma_wait3A_121 = tpu.memref_squeeze %dma_wait3A_120 : memref<1x1x1x10000xf32, #tpu.memory_space<hbm>> -> memref<10000xf32, #tpu.memory_space<hbm>>
      tpu.wait_dma2 semaphore(%run_scoped3A_110 : memref<!tpu.dma_semaphore, #tpu.memory_space<semaphore_mem>>) src(%arg10 : memref<10000xf32, #tpu.memory_space<vmem>>) dst(%dma_wait3A_121 : memref<10000xf32, #tpu.memory_space<hbm>>)
      tpu.yield
    }) : () -> ()
    %run_scoped3A_48 = arith.constant 1 : i32
    %run_scoped3A_49 = arith.constant 0 : i32
    "tpu.region"() ({
      %run_scoped3A_110 = tpu.sem_alloc : memref<!tpu.dma_semaphore, #tpu.memory_space<semaphore_mem>>
      %dma_start3A_111 = arith.constant 0 : i32
      %dma_start3A_112 = tpu.memref_slice %arg5[%add3A_2, %run_scoped3A_48, %run_scoped3A_49, %dma_start3A_111] : memref<64x4x1x10000xf32, #tpu.memory_space<hbm>> -> memref<1x1x1x10000xf32, #tpu.memory_space<hbm>>
      %dma_start3A_113 = tpu.memref_squeeze %dma_start3A_112 : memref<1x1x1x10000xf32, #tpu.memory_space<hbm>> -> memref<10000xf32, #tpu.memory_space<hbm>>
      %dma_start3A_114 = arith.constant 0 : i32
      %dma_start3A_115 = tpu.memref_slice %arg5[%add3A_2, %run_scoped3A_48, %run_scoped3A_49, %dma_start3A_114] : memref<64x4x1x10000xf32, #tpu.memory_space<hbm>> -> memref<1x1x1x10000xf32, #tpu.memory_space<hbm>>
      %dma_start3A_116 = tpu.memref_squeeze %dma_start3A_115 : memref<1x1x1x10000xf32, #tpu.memory_space<hbm>> -> memref<10000xf32, #tpu.memory_space<hbm>>
      tpu.enqueue_dma source(%arg11 : memref<10000xf32, #tpu.memory_space<vmem>>) target(%dma_start3A_116 : memref<10000xf32, #tpu.memory_space<hbm>>) target_semaphore(%run_scoped3A_110 : memref<!tpu.dma_semaphore, #tpu.memory_space<semaphore_mem>>)
      %dma_wait3A = arith.constant 0 : i32
      %dma_wait3A_117 = tpu.memref_slice %arg5[%add3A_2, %run_scoped3A_48, %run_scoped3A_49, %dma_wait3A] : memref<64x4x1x10000xf32, #tpu.memory_space<hbm>> -> memref<1x1x1x10000xf32, #tpu.memory_space<hbm>>
      %dma_wait3A_118 = tpu.memref_squeeze %dma_wait3A_117 : memref<1x1x1x10000xf32, #tpu.memory_space<hbm>> -> memref<10000xf32, #tpu.memory_space<hbm>>
      %dma_wait3A_119 = arith.constant 0 : i32
      %dma_wait3A_120 = tpu.memref_slice %arg5[%add3A_2, %run_scoped3A_48, %run_scoped3A_49, %dma_wait3A_119] : memref<64x4x1x10000xf32, #tpu.memory_space<hbm>> -> memref<1x1x1x10000xf32, #tpu.memory_space<hbm>>
      %dma_wait3A_121 = tpu.memref_squeeze %dma_wait3A_120 : memref<1x1x1x10000xf32, #tpu.memory_space<hbm>> -> memref<10000xf32, #tpu.memory_space<hbm>>
      tpu.wait_dma2 semaphore(%run_scoped3A_110 : memref<!tpu.dma_semaphore, #tpu.memory_space<semaphore_mem>>) src(%arg11 : memref<10000xf32, #tpu.memory_space<vmem>>) dst(%dma_wait3A_121 : memref<10000xf32, #tpu.memory_space<hbm>>)
      tpu.yield
    }) : () -> ()
    %run_scoped3A_50 = arith.constant 2 : i32
    %run_scoped3A_51 = arith.constant 0 : i32
    "tpu.region"() ({
      %run_scoped3A_110 = tpu.sem_alloc : memref<!tpu.dma_semaphore, #tpu.memory_space<semaphore_mem>>
      %dma_start3A_111 = arith.constant 0 : i32
      %dma_start3A_112 = tpu.memref_slice %arg5[%add3A_2, %run_scoped3A_50, %run_scoped3A_51, %dma_start3A_111] : memref<64x4x1x10000xf32, #tpu.memory_space<hbm>> -> memref<1x1x1x10000xf32, #tpu.memory_space<hbm>>
      %dma_start3A_113 = tpu.memref_squeeze %dma_start3A_112 : memref<1x1x1x10000xf32, #tpu.memory_space<hbm>> -> memref<10000xf32, #tpu.memory_space<hbm>>
      %dma_start3A_114 = arith.constant 0 : i32
      %dma_start3A_115 = tpu.memref_slice %arg5[%add3A_2, %run_scoped3A_50, %run_scoped3A_51, %dma_start3A_114] : memref<64x4x1x10000xf32, #tpu.memory_space<hbm>> -> memref<1x1x1x10000xf32, #tpu.memory_space<hbm>>
      %dma_start3A_116 = tpu.memref_squeeze %dma_start3A_115 : memref<1x1x1x10000xf32, #tpu.memory_space<hbm>> -> memref<10000xf32, #tpu.memory_space<hbm>>
      tpu.enqueue_dma source(%arg12 : memref<10000xf32, #tpu.memory_space<vmem>>) target(%dma_start3A_116 : memref<10000xf32, #tpu.memory_space<hbm>>) target_semaphore(%run_scoped3A_110 : memref<!tpu.dma_semaphore, #tpu.memory_space<semaphore_mem>>)
      %dma_wait3A = arith.constant 0 : i32
      %dma_wait3A_117 = tpu.memref_slice %arg5[%add3A_2, %run_scoped3A_50, %run_scoped3A_51, %dma_wait3A] : memref<64x4x1x10000xf32, #tpu.memory_space<hbm>> -> memref<1x1x1x10000xf32, #tpu.memory_space<hbm>>
      %dma_wait3A_118 = tpu.memref_squeeze %dma_wait3A_117 : memref<1x1x1x10000xf32, #tpu.memory_space<hbm>> -> memref<10000xf32, #tpu.memory_space<hbm>>
      %dma_wait3A_119 = arith.constant 0 : i32
      %dma_wait3A_120 = tpu.memref_slice %arg5[%add3A_2, %run_scoped3A_50, %run_scoped3A_51, %dma_wait3A_119] : memref<64x4x1x10000xf32, #tpu.memory_space<hbm>> -> memref<1x1x1x10000xf32, #tpu.memory_space<hbm>>
      %dma_wait3A_121 = tpu.memref_squeeze %dma_wait3A_120 : memref<1x1x1x10000xf32, #tpu.memory_space<hbm>> -> memref<10000xf32, #tpu.memory_space<hbm>>
      tpu.wait_dma2 semaphore(%run_scoped3A_110 : memref<!tpu.dma_semaphore, #tpu.memory_space<semaphore_mem>>) src(%arg12 : memref<10000xf32, #tpu.memory_space<vmem>>) dst(%dma_wait3A_121 : memref<10000xf32, #tpu.memory_space<hbm>>)
      tpu.yield
    }) : () -> ()
    %run_scoped3A_52 = arith.constant 3 : i32
    %run_scoped3A_53 = arith.constant 0 : i32
    "tpu.region"() ({
      %run_scoped3A_110 = tpu.sem_alloc : memref<!tpu.dma_semaphore, #tpu.memory_space<semaphore_mem>>
      %dma_start3A_111 = arith.constant 0 : i32
      %dma_start3A_112 = tpu.memref_slice %arg5[%add3A_2, %run_scoped3A_52, %run_scoped3A_53, %dma_start3A_111] : memref<64x4x1x10000xf32, #tpu.memory_space<hbm>> -> memref<1x1x1x10000xf32, #tpu.memory_space<hbm>>
      %dma_start3A_113 = tpu.memref_squeeze %dma_start3A_112 : memref<1x1x1x10000xf32, #tpu.memory_space<hbm>> -> memref<10000xf32, #tpu.memory_space<hbm>>
      %dma_start3A_114 = arith.constant 0 : i32
      %dma_start3A_115 = tpu.memref_slice %arg5[%add3A_2, %run_scoped3A_52, %run_scoped3A_53, %dma_start3A_114] : memref<64x4x1x10000xf32, #tpu.memory_space<hbm>> -> memref<1x1x1x10000xf32, #tpu.memory_space<hbm>>
      %dma_start3A_116 = tpu.memref_squeeze %dma_start3A_115 : memref<1x1x1x10000xf32, #tpu.memory_space<hbm>> -> memref<10000xf32, #tpu.memory_space<hbm>>
      tpu.enqueue_dma source(%arg13 : memref<10000xf32, #tpu.memory_space<vmem>>) target(%dma_start3A_116 : memref<10000xf32, #tpu.memory_space<hbm>>) target_semaphore(%run_scoped3A_110 : memref<!tpu.dma_semaphore, #tpu.memory_space<semaphore_mem>>)
      %dma_wait3A = arith.constant 0 : i32
      %dma_wait3A_117 = tpu.memref_slice %arg5[%add3A_2, %run_scoped3A_52, %run_scoped3A_53, %dma_wait3A] : memref<64x4x1x10000xf32, #tpu.memory_space<hbm>> -> memref<1x1x1x10000xf32, #tpu.memory_space<hbm>>
      %dma_wait3A_118 = tpu.memref_squeeze %dma_wait3A_117 : memref<1x1x1x10000xf32, #tpu.memory_space<hbm>> -> memref<10000xf32, #tpu.memory_space<hbm>>
      %dma_wait3A_119 = arith.constant 0 : i32
      %dma_wait3A_120 = tpu.memref_slice %arg5[%add3A_2, %run_scoped3A_52, %run_scoped3A_53, %dma_wait3A_119] : memref<64x4x1x10000xf32, #tpu.memory_space<hbm>> -> memref<1x1x1x10000xf32, #tpu.memory_space<hbm>>
      %dma_wait3A_121 = tpu.memref_squeeze %dma_wait3A_120 : memref<1x1x1x10000xf32, #tpu.memory_space<hbm>> -> memref<10000xf32, #tpu.memory_space<hbm>>
      tpu.wait_dma2 semaphore(%run_scoped3A_110 : memref<!tpu.dma_semaphore, #tpu.memory_space<semaphore_mem>>) src(%arg13 : memref<10000xf32, #tpu.memory_space<vmem>>) dst(%dma_wait3A_121 : memref<10000xf32, #tpu.memory_space<hbm>>)
      tpu.yield
    }) : () -> ()
    %add3A_54 = arith.constant 32 : i32
    %add3A_55 = arith.addi %add3A_54, %add3A : i32
    %run_scoped3A_56 = arith.constant 0 : i32
    %run_scoped3A_57 = arith.constant 0 : i32
    "tpu.region"() ({
      %run_scoped3A_110 = tpu.sem_alloc : memref<!tpu.dma_semaphore, #tpu.memory_space<semaphore_mem>>
      %dma_start3A_111 = arith.constant 0 : i32
      %dma_start3A_112 = tpu.memref_slice %arg2[%add3A_55, %run_scoped3A_56, %run_scoped3A_57, %dma_start3A_111] : memref<64x4x1x10000xf32, #tpu.memory_space<hbm>> -> memref<1x1x1x10000xf32, #tpu.memory_space<hbm>>
      %dma_start3A_113 = tpu.memref_squeeze %dma_start3A_112 : memref<1x1x1x10000xf32, #tpu.memory_space<hbm>> -> memref<10000xf32, #tpu.memory_space<hbm>>
      %dma_start3A_114 = arith.constant 0 : i32
      %dma_start3A_115 = tpu.memref_slice %arg2[%add3A_55, %run_scoped3A_56, %run_scoped3A_57, %dma_start3A_114] : memref<64x4x1x10000xf32, #tpu.memory_space<hbm>> -> memref<1x1x1x10000xf32, #tpu.memory_space<hbm>>
      %dma_start3A_116 = tpu.memref_squeeze %dma_start3A_115 : memref<1x1x1x10000xf32, #tpu.memory_space<hbm>> -> memref<10000xf32, #tpu.memory_space<hbm>>
      tpu.enqueue_dma source(%dma_start3A_116 : memref<10000xf32, #tpu.memory_space<hbm>>) target(%arg6 : memref<10000xf32, #tpu.memory_space<vmem>>) target_semaphore(%run_scoped3A_110 : memref<!tpu.dma_semaphore, #tpu.memory_space<semaphore_mem>>)
      %dma_wait3A = arith.constant 0 : i32
      %dma_wait3A_117 = tpu.memref_slice %arg2[%add3A_55, %run_scoped3A_56, %run_scoped3A_57, %dma_wait3A] : memref<64x4x1x10000xf32, #tpu.memory_space<hbm>> -> memref<1x1x1x10000xf32, #tpu.memory_space<hbm>>
      %dma_wait3A_118 = tpu.memref_squeeze %dma_wait3A_117 : memref<1x1x1x10000xf32, #tpu.memory_space<hbm>> -> memref<10000xf32, #tpu.memory_space<hbm>>
      %dma_wait3A_119 = arith.constant 0 : i32
      %dma_wait3A_120 = tpu.memref_slice %arg2[%add3A_55, %run_scoped3A_56, %run_scoped3A_57, %dma_wait3A_119] : memref<64x4x1x10000xf32, #tpu.memory_space<hbm>> -> memref<1x1x1x10000xf32, #tpu.memory_space<hbm>>
      %dma_wait3A_121 = tpu.memref_squeeze %dma_wait3A_120 : memref<1x1x1x10000xf32, #tpu.memory_space<hbm>> -> memref<10000xf32, #tpu.memory_space<hbm>>
      tpu.wait_dma2 semaphore(%run_scoped3A_110 : memref<!tpu.dma_semaphore, #tpu.memory_space<semaphore_mem>>) src(%dma_wait3A_121 : memref<10000xf32, #tpu.memory_space<hbm>>) dst(%arg6 : memref<10000xf32, #tpu.memory_space<vmem>>)
      tpu.yield
    }) : () -> ()
    %run_scoped3A_58 = arith.constant 1 : i32
    %run_scoped3A_59 = arith.constant 0 : i32
    "tpu.region"() ({
      %run_scoped3A_110 = tpu.sem_alloc : memref<!tpu.dma_semaphore, #tpu.memory_space<semaphore_mem>>
      %dma_start3A_111 = arith.constant 0 : i32
      %dma_start3A_112 = tpu.memref_slice %arg2[%add3A_55, %run_scoped3A_58, %run_scoped3A_59, %dma_start3A_111] : memref<64x4x1x10000xf32, #tpu.memory_space<hbm>> -> memref<1x1x1x10000xf32, #tpu.memory_space<hbm>>
      %dma_start3A_113 = tpu.memref_squeeze %dma_start3A_112 : memref<1x1x1x10000xf32, #tpu.memory_space<hbm>> -> memref<10000xf32, #tpu.memory_space<hbm>>
      %dma_start3A_114 = arith.constant 0 : i32
      %dma_start3A_115 = tpu.memref_slice %arg2[%add3A_55, %run_scoped3A_58, %run_scoped3A_59, %dma_start3A_114] : memref<64x4x1x10000xf32, #tpu.memory_space<hbm>> -> memref<1x1x1x10000xf32, #tpu.memory_space<hbm>>
      %dma_start3A_116 = tpu.memref_squeeze %dma_start3A_115 : memref<1x1x1x10000xf32, #tpu.memory_space<hbm>> -> memref<10000xf32, #tpu.memory_space<hbm>>
      tpu.enqueue_dma source(%dma_start3A_116 : memref<10000xf32, #tpu.memory_space<hbm>>) target(%arg7 : memref<10000xf32, #tpu.memory_space<vmem>>) target_semaphore(%run_scoped3A_110 : memref<!tpu.dma_semaphore, #tpu.memory_space<semaphore_mem>>)
      %dma_wait3A = arith.constant 0 : i32
      %dma_wait3A_117 = tpu.memref_slice %arg2[%add3A_55, %run_scoped3A_58, %run_scoped3A_59, %dma_wait3A] : memref<64x4x1x10000xf32, #tpu.memory_space<hbm>> -> memref<1x1x1x10000xf32, #tpu.memory_space<hbm>>
      %dma_wait3A_118 = tpu.memref_squeeze %dma_wait3A_117 : memref<1x1x1x10000xf32, #tpu.memory_space<hbm>> -> memref<10000xf32, #tpu.memory_space<hbm>>
      %dma_wait3A_119 = arith.constant 0 : i32
      %dma_wait3A_120 = tpu.memref_slice %arg2[%add3A_55, %run_scoped3A_58, %run_scoped3A_59, %dma_wait3A_119] : memref<64x4x1x10000xf32, #tpu.memory_space<hbm>> -> memref<1x1x1x10000xf32, #tpu.memory_space<hbm>>
      %dma_wait3A_121 = tpu.memref_squeeze %dma_wait3A_120 : memref<1x1x1x10000xf32, #tpu.memory_space<hbm>> -> memref<10000xf32, #tpu.memory_space<hbm>>
      tpu.wait_dma2 semaphore(%run_scoped3A_110 : memref<!tpu.dma_semaphore, #tpu.memory_space<semaphore_mem>>) src(%dma_wait3A_121 : memref<10000xf32, #tpu.memory_space<hbm>>) dst(%arg7 : memref<10000xf32, #tpu.memory_space<vmem>>)
      tpu.yield
    }) : () -> ()
    %run_scoped3A_60 = arith.constant 2 : i32
    %run_scoped3A_61 = arith.constant 0 : i32
    "tpu.region"() ({
      %run_scoped3A_110 = tpu.sem_alloc : memref<!tpu.dma_semaphore, #tpu.memory_space<semaphore_mem>>
      %dma_start3A_111 = arith.constant 0 : i32
      %dma_start3A_112 = tpu.memref_slice %arg2[%add3A_55, %run_scoped3A_60, %run_scoped3A_61, %dma_start3A_111] : memref<64x4x1x10000xf32, #tpu.memory_space<hbm>> -> memref<1x1x1x10000xf32, #tpu.memory_space<hbm>>
      %dma_start3A_113 = tpu.memref_squeeze %dma_start3A_112 : memref<1x1x1x10000xf32, #tpu.memory_space<hbm>> -> memref<10000xf32, #tpu.memory_space<hbm>>
      %dma_start3A_114 = arith.constant 0 : i32
      %dma_start3A_115 = tpu.memref_slice %arg2[%add3A_55, %run_scoped3A_60, %run_scoped3A_61, %dma_start3A_114] : memref<64x4x1x10000xf32, #tpu.memory_space<hbm>> -> memref<1x1x1x10000xf32, #tpu.memory_space<hbm>>
      %dma_start3A_116 = tpu.memref_squeeze %dma_start3A_115 : memref<1x1x1x10000xf32, #tpu.memory_space<hbm>> -> memref<10000xf32, #tpu.memory_space<hbm>>
      tpu.enqueue_dma source(%dma_start3A_116 : memref<10000xf32, #tpu.memory_space<hbm>>) target(%arg8 : memref<10000xf32, #tpu.memory_space<vmem>>) target_semaphore(%run_scoped3A_110 : memref<!tpu.dma_semaphore, #tpu.memory_space<semaphore_mem>>)
      %dma_wait3A = arith.constant 0 : i32
      %dma_wait3A_117 = tpu.memref_slice %arg2[%add3A_55, %run_scoped3A_60, %run_scoped3A_61, %dma_wait3A] : memref<64x4x1x10000xf32, #tpu.memory_space<hbm>> -> memref<1x1x1x10000xf32, #tpu.memory_space<hbm>>
      %dma_wait3A_118 = tpu.memref_squeeze %dma_wait3A_117 : memref<1x1x1x10000xf32, #tpu.memory_space<hbm>> -> memref<10000xf32, #tpu.memory_space<hbm>>
      %dma_wait3A_119 = arith.constant 0 : i32
      %dma_wait3A_120 = tpu.memref_slice %arg2[%add3A_55, %run_scoped3A_60, %run_scoped3A_61, %dma_wait3A_119] : memref<64x4x1x10000xf32, #tpu.memory_space<hbm>> -> memref<1x1x1x10000xf32, #tpu.memory_space<hbm>>
      %dma_wait3A_121 = tpu.memref_squeeze %dma_wait3A_120 : memref<1x1x1x10000xf32, #tpu.memory_space<hbm>> -> memref<10000xf32, #tpu.memory_space<hbm>>
      tpu.wait_dma2 semaphore(%run_scoped3A_110 : memref<!tpu.dma_semaphore, #tpu.memory_space<semaphore_mem>>) src(%dma_wait3A_121 : memref<10000xf32, #tpu.memory_space<hbm>>) dst(%arg8 : memref<10000xf32, #tpu.memory_space<vmem>>)
      tpu.yield
    }) : () -> ()
    %run_scoped3A_62 = arith.constant 3 : i32
    %run_scoped3A_63 = arith.constant 0 : i32
    "tpu.region"() ({
      %run_scoped3A_110 = tpu.sem_alloc : memref<!tpu.dma_semaphore, #tpu.memory_space<semaphore_mem>>
      %dma_start3A_111 = arith.constant 0 : i32
      %dma_start3A_112 = tpu.memref_slice %arg2[%add3A_55, %run_scoped3A_62, %run_scoped3A_63, %dma_start3A_111] : memref<64x4x1x10000xf32, #tpu.memory_space<hbm>> -> memref<1x1x1x10000xf32, #tpu.memory_space<hbm>>
      %dma_start3A_113 = tpu.memref_squeeze %dma_start3A_112 : memref<1x1x1x10000xf32, #tpu.memory_space<hbm>> -> memref<10000xf32, #tpu.memory_space<hbm>>
      %dma_start3A_114 = arith.constant 0 : i32
      %dma_start3A_115 = tpu.memref_slice %arg2[%add3A_55, %run_scoped3A_62, %run_scoped3A_63, %dma_start3A_114] : memref<64x4x1x10000xf32, #tpu.memory_space<hbm>> -> memref<1x1x1x10000xf32, #tpu.memory_space<hbm>>
      %dma_start3A_116 = tpu.memref_squeeze %dma_start3A_115 : memref<1x1x1x10000xf32, #tpu.memory_space<hbm>> -> memref<10000xf32, #tpu.memory_space<hbm>>
      tpu.enqueue_dma source(%dma_start3A_116 : memref<10000xf32, #tpu.memory_space<hbm>>) target(%arg9 : memref<10000xf32, #tpu.memory_space<vmem>>) target_semaphore(%run_scoped3A_110 : memref<!tpu.dma_semaphore, #tpu.memory_space<semaphore_mem>>)
      %dma_wait3A = arith.constant 0 : i32
      %dma_wait3A_117 = tpu.memref_slice %arg2[%add3A_55, %run_scoped3A_62, %run_scoped3A_63, %dma_wait3A] : memref<64x4x1x10000xf32, #tpu.memory_space<hbm>> -> memref<1x1x1x10000xf32, #tpu.memory_space<hbm>>
      %dma_wait3A_118 = tpu.memref_squeeze %dma_wait3A_117 : memref<1x1x1x10000xf32, #tpu.memory_space<hbm>> -> memref<10000xf32, #tpu.memory_space<hbm>>
      %dma_wait3A_119 = arith.constant 0 : i32
      %dma_wait3A_120 = tpu.memref_slice %arg2[%add3A_55, %run_scoped3A_62, %run_scoped3A_63, %dma_wait3A_119] : memref<64x4x1x10000xf32, #tpu.memory_space<hbm>> -> memref<1x1x1x10000xf32, #tpu.memory_space<hbm>>
      %dma_wait3A_121 = tpu.memref_squeeze %dma_wait3A_120 : memref<1x1x1x10000xf32, #tpu.memory_space<hbm>> -> memref<10000xf32, #tpu.memory_space<hbm>>
      tpu.wait_dma2 semaphore(%run_scoped3A_110 : memref<!tpu.dma_semaphore, #tpu.memory_space<semaphore_mem>>) src(%dma_wait3A_121 : memref<10000xf32, #tpu.memory_space<hbm>>) dst(%arg9 : memref<10000xf32, #tpu.memory_space<vmem>>)
      tpu.yield
    }) : () -> ()
    %scan3A_64 = arith.constant 0 : i32
    %scan3A_65 = arith.constant 0 : i32
    %scan3A_66 = arith.constant 625 : i32
    %scan3A_67 = arith.addi %scan3A_65, %scan3A_66 : i32
    %scan3A_68 = arith.constant 1 : i32
    %scan3A_69 = scf.for %scan3A_110 = %scan3A_65 to %scan3A_67 step %scan3A_68 iter_args(%scan3A_111 = %scan3A_64) -> (i32)  : i32 {
      %broadcast_in_dim3A = arith.constant 0.000000e+00 : f32
      %broadcast_in_dim3A_112 = vector.broadcast %broadcast_in_dim3A : f32 to vector<16xf32>
      %mul3A_113 = arith.constant 16 : i32
      %mul3A_114 = arith.muli %scan3A_110, %mul3A_113 : i32
      %swap3A = arith.index_cast %mul3A_114 : i32 to index
      %swap3A_115 = tpu.vector_load %arg10[%swap3A] {strides = array<i32>} : memref<10000xf32, #tpu.memory_space<vmem>>, vector<16xf32>,
      tpu.vector_store %arg10[%swap3A], %broadcast_in_dim3A_112 {strides = array<i32>} : memref<10000xf32, #tpu.memory_space<vmem>>, vector<16xf32>,
      %broadcast_in_dim3A_116 = arith.constant 0.000000e+00 : f32
      %broadcast_in_dim3A_117 = vector.broadcast %broadcast_in_dim3A_116 : f32 to vector<16xf32>
      %mul3A_118 = arith.constant 16 : i32
      %mul3A_119 = arith.muli %scan3A_110, %mul3A_118 : i32
      %swap3A_120 = arith.index_cast %mul3A_119 : i32 to index
      %swap3A_121 = tpu.vector_load %arg11[%swap3A_120] {strides = array<i32>} : memref<10000xf32, #tpu.memory_space<vmem>>, vector<16xf32>,
      tpu.vector_store %arg11[%swap3A_120], %broadcast_in_dim3A_117 {strides = array<i32>} : memref<10000xf32, #tpu.memory_space<vmem>>, vector<16xf32>,
      %broadcast_in_dim3A_122 = arith.constant 0.000000e+00 : f32
      %broadcast_in_dim3A_123 = vector.broadcast %broadcast_in_dim3A_122 : f32 to vector<16xf32>
      %mul3A_124 = arith.constant 16 : i32
      %mul3A_125 = arith.muli %scan3A_110, %mul3A_124 : i32
      %swap3A_126 = arith.index_cast %mul3A_125 : i32 to index
      %swap3A_127 = tpu.vector_load %arg12[%swap3A_126] {strides = array<i32>} : memref<10000xf32, #tpu.memory_space<vmem>>, vector<16xf32>,
      tpu.vector_store %arg12[%swap3A_126], %broadcast_in_dim3A_123 {strides = array<i32>} : memref<10000xf32, #tpu.memory_space<vmem>>, vector<16xf32>,
      %broadcast_in_dim3A_128 = arith.constant 0.000000e+00 : f32
      %broadcast_in_dim3A_129 = vector.broadcast %broadcast_in_dim3A_128 : f32 to vector<16xf32>
      %mul3A_130 = arith.constant 16 : i32
      %mul3A_131 = arith.muli %scan3A_110, %mul3A_130 : i32
      %swap3A_132 = arith.index_cast %mul3A_131 : i32 to index
      %swap3A_133 = tpu.vector_load %arg13[%swap3A_132] {strides = array<i32>} : memref<10000xf32, #tpu.memory_space<vmem>>, vector<16xf32>,
      tpu.vector_store %arg13[%swap3A_132], %broadcast_in_dim3A_129 {strides = array<i32>} : memref<10000xf32, #tpu.memory_space<vmem>>, vector<16xf32>,
      %scan3A_134 = arith.constant 0 : i32
      scf.yield %scan3A_134 : i32
    }
    %scan3A_70 = arith.constant 625 : i32
    %dma_start3A_71 = arith.constant 0 : i32
    %dma_start3A_72 = arith.constant 0 : i32
    %dma_start3A_73 = arith.constant 0 : i32
    %dma_start3A_74 = tpu.memref_slice %arg14[%dma_start3A_73] : memref<8000xi32, #tpu.memory_space<vmem>> -> memref<4000xi32, #tpu.memory_space<vmem>>
    %dma_start3A_75 = arith.constant 0 : i32
    %dma_start3A_76 = tpu.memref_slice %arg3[%dma_start3A_71, %dma_start3A_72, %dma_start3A_75] : memref<80x1x4000xi32, #tpu.memory_space<hbm>> -> memref<1x1x4000xi32, #tpu.memory_space<hbm>>
    %dma_start3A_77 = tpu.memref_squeeze %dma_start3A_76 : memref<1x1x4000xi32, #tpu.memory_space<hbm>> -> memref<4000xi32, #tpu.memory_space<hbm>>
    %dma_start3A_78 = arith.constant 0 : i32
    %dma_start3A_79 = tpu.memref_slice %arg14[%dma_start3A_78] : memref<8000xi32, #tpu.memory_space<vmem>> -> memref<4000xi32, #tpu.memory_space<vmem>>
    %dma_start3A_80 = arith.constant 0 : i32
    %dma_start3A_81 = tpu.memref_slice %arg3[%dma_start3A_71, %dma_start3A_72, %dma_start3A_80] : memref<80x1x4000xi32, #tpu.memory_space<hbm>> -> memref<1x1x4000xi32, #tpu.memory_space<hbm>>
    %dma_start3A_82 = tpu.memref_squeeze %dma_start3A_81 : memref<1x1x4000xi32, #tpu.memory_space<hbm>> -> memref<4000xi32, #tpu.memory_space<hbm>>
    tpu.enqueue_dma source(%dma_start3A_82 : memref<4000xi32, #tpu.memory_space<hbm>>) target(%dma_start3A_79 : memref<4000xi32, #tpu.memory_space<vmem>>) target_semaphore(%arg16 : memref<!tpu.dma_semaphore, #tpu.memory_space<semaphore_mem>>)
    %dma_start3A_83 = arith.constant 0 : i32
    %dma_start3A_84 = arith.constant 0 : i32
    %dma_start3A_85 = arith.constant 0 : i32
    %dma_start3A_86 = tpu.memref_slice %arg15[%dma_start3A_85] : memref<8000xi32, #tpu.memory_space<vmem>> -> memref<4000xi32, #tpu.memory_space<vmem>>
    %dma_start3A_87 = arith.constant 0 : i32
    %dma_start3A_88 = tpu.memref_slice %arg4[%dma_start3A_83, %dma_start3A_84, %dma_start3A_87] : memref<80x1x4000xi32, #tpu.memory_space<hbm>> -> memref<1x1x4000xi32, #tpu.memory_space<hbm>>
    %dma_start3A_89 = tpu.memref_squeeze %dma_start3A_88 : memref<1x1x4000xi32, #tpu.memory_space<hbm>> -> memref<4000xi32, #tpu.memory_space<hbm>>
    %dma_start3A_90 = arith.constant 0 : i32
    %dma_start3A_91 = tpu.memref_slice %arg15[%dma_start3A_90] : memref<8000xi32, #tpu.memory_space<vmem>> -> memref<4000xi32, #tpu.memory_space<vmem>>
    %dma_start3A_92 = arith.constant 0 : i32
    %dma_start3A_93 = tpu.memref_slice %arg4[%dma_start3A_83, %dma_start3A_84, %dma_start3A_92] : memref<80x1x4000xi32, #tpu.memory_space<hbm>> -> memref<1x1x4000xi32, #tpu.memory_space<hbm>>
    %dma_start3A_94 = tpu.memref_squeeze %dma_start3A_93 : memref<1x1x4000xi32, #tpu.memory_space<hbm>> -> memref<4000xi32, #tpu.memory_space<hbm>>
    tpu.enqueue_dma source(%dma_start3A_94 : memref<4000xi32, #tpu.memory_space<hbm>>) target(%dma_start3A_91 : memref<4000xi32, #tpu.memory_space<vmem>>) target_semaphore(%arg16 : memref<!tpu.dma_semaphore, #tpu.memory_space<semaphore_mem>>)
    %scan3A_95 = arith.constant 0 : i32
    %scan3A_96 = arith.constant 0 : i32
    %scan3A_97 = arith.constant 80 : i32
    %scan3A_98 = arith.addi %scan3A_96, %scan3A_97 : i32
    %scan3A_99 = arith.constant 1 : i32
    %scan3A_100 = scf.for %scan3A_110 = %scan3A_96 to %scan3A_98 step %scan3A_99 iter_args(%scan3A_111 = %scan3A_95) -> (i32)  : i32 {
      %rem3A = arith.constant 2 : i32
      %rem3A_112 = arith.remsi %scan3A_110, %rem3A : i32
      %mul3A_113 = arith.constant 4000 : i32
      %mul3A_114 = arith.muli %rem3A_112, %mul3A_113 : i32
      %mul3A_115 = arith.constant 4000 : i32
      %mul3A_116 = arith.muli %rem3A_112, %mul3A_115 : i32
      %dma_wait3A = arith.constant 0 : i32
      %dma_wait3A_117 = tpu.memref_slice %arg14[%mul3A_114] : memref<8000xi32, #tpu.memory_space<vmem>> -> memref<4000xi32, #tpu.memory_space<vmem>>
      %dma_wait3A_118 = arith.constant 0 : i32
      %dma_wait3A_119 = tpu.memref_slice %arg3[%scan3A_110, %dma_wait3A, %dma_wait3A_118] : memref<80x1x4000xi32, #tpu.memory_space<hbm>> -> memref<1x1x4000xi32, #tpu.memory_space<hbm>>
      %dma_wait3A_120 = tpu.memref_squeeze %dma_wait3A_119 : memref<1x1x4000xi32, #tpu.memory_space<hbm>> -> memref<4000xi32, #tpu.memory_space<hbm>>
      %dma_wait3A_121 = tpu.memref_slice %arg14[%mul3A_114] : memref<8000xi32, #tpu.memory_space<vmem>> -> memref<4000xi32, #tpu.memory_space<vmem>>
      %dma_wait3A_122 = arith.constant 0 : i32
      %dma_wait3A_123 = tpu.memref_slice %arg3[%scan3A_110, %dma_wait3A, %dma_wait3A_122] : memref<80x1x4000xi32, #tpu.memory_space<hbm>> -> memref<1x1x4000xi32, #tpu.memory_space<hbm>>
      %dma_wait3A_124 = tpu.memref_squeeze %dma_wait3A_123 : memref<1x1x4000xi32, #tpu.memory_space<hbm>> -> memref<4000xi32, #tpu.memory_space<hbm>>
      tpu.wait_dma2 semaphore(%arg16 : memref<!tpu.dma_semaphore, #tpu.memory_space<semaphore_mem>>) src(%dma_wait3A_124 : memref<4000xi32, #tpu.memory_space<hbm>>) dst(%dma_wait3A_121 : memref<4000xi32, #tpu.memory_space<vmem>>)
      %dma_wait3A_125 = arith.constant 0 : i32
      %dma_wait3A_126 = tpu.memref_slice %arg15[%mul3A_116] : memref<8000xi32, #tpu.memory_space<vmem>> -> memref<4000xi32, #tpu.memory_space<vmem>>
      %dma_wait3A_127 = arith.constant 0 : i32
      %dma_wait3A_128 = tpu.memref_slice %arg4[%scan3A_110, %dma_wait3A_125, %dma_wait3A_127] : memref<80x1x4000xi32, #tpu.memory_space<hbm>> -> memref<1x1x4000xi32, #tpu.memory_space<hbm>>
      %dma_wait3A_129 = tpu.memref_squeeze %dma_wait3A_128 : memref<1x1x4000xi32, #tpu.memory_space<hbm>> -> memref<4000xi32, #tpu.memory_space<hbm>>
      %dma_wait3A_130 = tpu.memref_slice %arg15[%mul3A_116] : memref<8000xi32, #tpu.memory_space<vmem>> -> memref<4000xi32, #tpu.memory_space<vmem>>
      %dma_wait3A_131 = arith.constant 0 : i32
      %dma_wait3A_132 = tpu.memref_slice %arg4[%scan3A_110, %dma_wait3A_125, %dma_wait3A_131] : memref<80x1x4000xi32, #tpu.memory_space<hbm>> -> memref<1x1x4000xi32, #tpu.memory_space<hbm>>
      %dma_wait3A_133 = tpu.memref_squeeze %dma_wait3A_132 : memref<1x1x4000xi32, #tpu.memory_space<hbm>> -> memref<4000xi32, #tpu.memory_space<hbm>>
      tpu.wait_dma2 semaphore(%arg16 : memref<!tpu.dma_semaphore, #tpu.memory_space<semaphore_mem>>) src(%dma_wait3A_133 : memref<4000xi32, #tpu.memory_space<hbm>>) dst(%dma_wait3A_130 : memref<4000xi32, #tpu.memory_space<vmem>>)
      %add3A_134 = arith.constant 1 : i32
      %add3A_135 = arith.addi %scan3A_110, %add3A_134 : i32
      %lt3A = arith.constant 80 : i32
      %lt3A_136 = arith.cmpi slt, %add3A_135, %lt3A : i32
      %convert_element_type3A = arith.extui %lt3A_136 : i1 to i32
      %cond3A = arith.constant 0 : i32
      %cond3A_137 = arith.cmpi ne, %convert_element_type3A, %cond3A : i32
      scf.if %cond3A_137 {
        %add3A_143 = arith.constant 1 : i32
        %add3A_144 = arith.addi %scan3A_110, %add3A_143 : i32
        %sub3A = arith.constant 1 : i32
        %sub3A_145 = arith.subi %sub3A, %rem3A_112 : i32
        %mul3A_146 = arith.constant 4000 : i32
        %mul3A_147 = arith.muli %sub3A_145, %mul3A_146 : i32
        %mul3A_148 = arith.constant 4000 : i32
        %mul3A_149 = arith.muli %sub3A_145, %mul3A_148 : i32
        %dma_start3A_150 = arith.constant 0 : i32
        %dma_start3A_151 = tpu.memref_slice %arg14[%mul3A_147] : memref<8000xi32, #tpu.memory_space<vmem>> -> memref<4000xi32, #tpu.memory_space<vmem>>
        %dma_start3A_152 = arith.constant 0 : i32
        %dma_start3A_153 = tpu.memref_slice %arg3[%add3A_144, %dma_start3A_150, %dma_start3A_152] : memref<80x1x4000xi32, #tpu.memory_space<hbm>> -> memref<1x1x4000xi32, #tpu.memory_space<hbm>>
        %dma_start3A_154 = tpu.memref_squeeze %dma_start3A_153 : memref<1x1x4000xi32, #tpu.memory_space<hbm>> -> memref<4000xi32, #tpu.memory_space<hbm>>
        %dma_start3A_155 = tpu.memref_slice %arg14[%mul3A_147] : memref<8000xi32, #tpu.memory_space<vmem>> -> memref<4000xi32, #tpu.memory_space<vmem>>
        %dma_start3A_156 = arith.constant 0 : i32
        %dma_start3A_157 = tpu.memref_slice %arg3[%add3A_144, %dma_start3A_150, %dma_start3A_156] : memref<80x1x4000xi32, #tpu.memory_space<hbm>> -> memref<1x1x4000xi32, #tpu.memory_space<hbm>>
        %dma_start3A_158 = tpu.memref_squeeze %dma_start3A_157 : memref<1x1x4000xi32, #tpu.memory_space<hbm>> -> memref<4000xi32, #tpu.memory_space<hbm>>
        tpu.enqueue_dma source(%dma_start3A_158 : memref<4000xi32, #tpu.memory_space<hbm>>) target(%dma_start3A_155 : memref<4000xi32, #tpu.memory_space<vmem>>) target_semaphore(%arg16 : memref<!tpu.dma_semaphore, #tpu.memory_space<semaphore_mem>>)
        %dma_start3A_159 = arith.constant 0 : i32
        %dma_start3A_160 = tpu.memref_slice %arg15[%mul3A_149] : memref<8000xi32, #tpu.memory_space<vmem>> -> memref<4000xi32, #tpu.memory_space<vmem>>
        %dma_start3A_161 = arith.constant 0 : i32
        %dma_start3A_162 = tpu.memref_slice %arg4[%add3A_144, %dma_start3A_159, %dma_start3A_161] : memref<80x1x4000xi32, #tpu.memory_space<hbm>> -> memref<1x1x4000xi32, #tpu.memory_space<hbm>>
        %dma_start3A_163 = tpu.memref_squeeze %dma_start3A_162 : memref<1x1x4000xi32, #tpu.memory_space<hbm>> -> memref<4000xi32, #tpu.memory_space<hbm>>
        %dma_start3A_164 = tpu.memref_slice %arg15[%mul3A_149] : memref<8000xi32, #tpu.memory_space<vmem>> -> memref<4000xi32, #tpu.memory_space<vmem>>
        %dma_start3A_165 = arith.constant 0 : i32
        %dma_start3A_166 = tpu.memref_slice %arg4[%add3A_144, %dma_start3A_159, %dma_start3A_165] : memref<80x1x4000xi32, #tpu.memory_space<hbm>> -> memref<1x1x4000xi32, #tpu.memory_space<hbm>>
        %dma_start3A_167 = tpu.memref_squeeze %dma_start3A_166 : memref<1x1x4000xi32, #tpu.memory_space<hbm>> -> memref<4000xi32, #tpu.memory_space<hbm>>
        tpu.enqueue_dma source(%dma_start3A_167 : memref<4000xi32, #tpu.memory_space<hbm>>) target(%dma_start3A_164 : memref<4000xi32, #tpu.memory_space<vmem>>) target_semaphore(%arg16 : memref<!tpu.dma_semaphore, #tpu.memory_space<semaphore_mem>>)
      } else {
      }
      %mul3A_138 = arith.constant 4000 : i32
      %mul3A_139 = arith.muli %rem3A_112, %mul3A_138 : i32
      %parallel_loop3A = arith.constant 0 : i32
      %parallel_loop3A_140 = arith.constant 250 : i32
      %parallel_loop3A_141 = arith.constant 1 : i32
      scf.for %parallel_loop3A_143 = %parallel_loop3A to %parallel_loop3A_140 step %parallel_loop3A_141  : i32 {
        %parallel_loop3A_144 = arith.constant 16 : i32
        %parallel_loop3A_145 = arith.muli %parallel_loop3A_143, %parallel_loop3A_144 : i32
        %parallel_loop3A_146 = arith.addi %mul3A_139, %parallel_loop3A_145 : i32
        %parallel_loop3A_147 = arith.index_cast %parallel_loop3A_146 : i32 to index
        %parallel_loop3A_148 = tpu.vector_load %arg14[%parallel_loop3A_147] {strides = array<i32>} : memref<8000xi32, #tpu.memory_space<vmem>>, vector<16xi32>,
        %parallel_loop3A_149 = arith.index_cast %parallel_loop3A_146 : i32 to index
        %parallel_loop3A_150 = tpu.vector_load %arg15[%parallel_loop3A_149] {strides = array<i32>} : memref<8000xi32, #tpu.memory_space<vmem>>, vector<16xi32>,
        %parallel_loop3A_151 = tpu.vector_load_idx %arg6[%parallel_loop3A_148] : memref<10000xf32, #tpu.memory_space<vmem>>[vector<16xi32>], vector<16xf32>,
        tpu.vector_store_idx %arg10[%parallel_loop3A_150], %parallel_loop3A_151 {add = true} : memref<10000xf32, #tpu.memory_space<vmem>>[vector<16xi32>], vector<16xf32>,
        %parallel_loop3A_152 = tpu.vector_load_idx %arg7[%parallel_loop3A_148] : memref<10000xf32, #tpu.memory_space<vmem>>[vector<16xi32>], vector<16xf32>,
        tpu.vector_store_idx %arg11[%parallel_loop3A_150], %parallel_loop3A_152 {add = true} : memref<10000xf32, #tpu.memory_space<vmem>>[vector<16xi32>], vector<16xf32>,
        %parallel_loop3A_153 = tpu.vector_load_idx %arg8[%parallel_loop3A_148] : memref<10000xf32, #tpu.memory_space<vmem>>[vector<16xi32>], vector<16xf32>,
        tpu.vector_store_idx %arg12[%parallel_loop3A_150], %parallel_loop3A_153 {add = true} : memref<10000xf32, #tpu.memory_space<vmem>>[vector<16xi32>], vector<16xf32>,
        %parallel_loop3A_154 = tpu.vector_load_idx %arg9[%parallel_loop3A_148] : memref<10000xf32, #tpu.memory_space<vmem>>[vector<16xi32>], vector<16xf32>,
        tpu.vector_store_idx %arg13[%parallel_loop3A_150], %parallel_loop3A_154 {add = true} : memref<10000xf32, #tpu.memory_space<vmem>>[vector<16xi32>], vector<16xf32>,
      } {sc.loop_unroll_factor = 5 : i64, sc.parallel_access}
      %scan3A_142 = arith.constant 0 : i32
      scf.yield %scan3A_142 : i32
    }
    %scan3A_101 = arith.constant 80 : i32
    %run_scoped3A_102 = arith.constant 0 : i32
    %run_scoped3A_103 = arith.constant 0 : i32
    "tpu.region"() ({
      %run_scoped3A_110 = tpu.sem_alloc : memref<!tpu.dma_semaphore, #tpu.memory_space<semaphore_mem>>
      %dma_start3A_111 = arith.constant 0 : i32
      %dma_start3A_112 = tpu.memref_slice %arg5[%add3A_55, %run_scoped3A_102, %run_scoped3A_103, %dma_start3A_111] : memref<64x4x1x10000xf32, #tpu.memory_space<hbm>> -> memref<1x1x1x10000xf32, #tpu.memory_space<hbm>>
      %dma_start3A_113 = tpu.memref_squeeze %dma_start3A_112 : memref<1x1x1x10000xf32, #tpu.memory_space<hbm>> -> memref<10000xf32, #tpu.memory_space<hbm>>
      %dma_start3A_114 = arith.constant 0 : i32
      %dma_start3A_115 = tpu.memref_slice %arg5[%add3A_55, %run_scoped3A_102, %run_scoped3A_103, %dma_start3A_114] : memref<64x4x1x10000xf32, #tpu.memory_space<hbm>> -> memref<1x1x1x10000xf32, #tpu.memory_space<hbm>>
      %dma_start3A_116 = tpu.memref_squeeze %dma_start3A_115 : memref<1x1x1x10000xf32, #tpu.memory_space<hbm>> -> memref<10000xf32, #tpu.memory_space<hbm>>
      tpu.enqueue_dma source(%arg10 : memref<10000xf32, #tpu.memory_space<vmem>>) target(%dma_start3A_116 : memref<10000xf32, #tpu.memory_space<hbm>>) target_semaphore(%run_scoped3A_110 : memref<!tpu.dma_semaphore, #tpu.memory_space<semaphore_mem>>)
      %dma_wait3A = arith.constant 0 : i32
      %dma_wait3A_117 = tpu.memref_slice %arg5[%add3A_55, %run_scoped3A_102, %run_scoped3A_103, %dma_wait3A] : memref<64x4x1x10000xf32, #tpu.memory_space<hbm>> -> memref<1x1x1x10000xf32, #tpu.memory_space<hbm>>
      %dma_wait3A_118 = tpu.memref_squeeze %dma_wait3A_117 : memref<1x1x1x10000xf32, #tpu.memory_space<hbm>> -> memref<10000xf32, #tpu.memory_space<hbm>>
      %dma_wait3A_119 = arith.constant 0 : i32
      %dma_wait3A_120 = tpu.memref_slice %arg5[%add3A_55, %run_scoped3A_102, %run_scoped3A_103, %dma_wait3A_119] : memref<64x4x1x10000xf32, #tpu.memory_space<hbm>> -> memref<1x1x1x10000xf32, #tpu.memory_space<hbm>>
      %dma_wait3A_121 = tpu.memref_squeeze %dma_wait3A_120 : memref<1x1x1x10000xf32, #tpu.memory_space<hbm>> -> memref<10000xf32, #tpu.memory_space<hbm>>
      tpu.wait_dma2 semaphore(%run_scoped3A_110 : memref<!tpu.dma_semaphore, #tpu.memory_space<semaphore_mem>>) src(%arg10 : memref<10000xf32, #tpu.memory_space<vmem>>) dst(%dma_wait3A_121 : memref<10000xf32, #tpu.memory_space<hbm>>)
      tpu.yield
    }) : () -> ()
    %run_scoped3A_104 = arith.constant 1 : i32
    %run_scoped3A_105 = arith.constant 0 : i32
    "tpu.region"() ({
      %run_scoped3A_110 = tpu.sem_alloc : memref<!tpu.dma_semaphore, #tpu.memory_space<semaphore_mem>>
      %dma_start3A_111 = arith.constant 0 : i32
      %dma_start3A_112 = tpu.memref_slice %arg5[%add3A_55, %run_scoped3A_104, %run_scoped3A_105, %dma_start3A_111] : memref<64x4x1x10000xf32, #tpu.memory_space<hbm>> -> memref<1x1x1x10000xf32, #tpu.memory_space<hbm>>
      %dma_start3A_113 = tpu.memref_squeeze %dma_start3A_112 : memref<1x1x1x10000xf32, #tpu.memory_space<hbm>> -> memref<10000xf32, #tpu.memory_space<hbm>>
      %dma_start3A_114 = arith.constant 0 : i32
      %dma_start3A_115 = tpu.memref_slice %arg5[%add3A_55, %run_scoped3A_104, %run_scoped3A_105, %dma_start3A_114] : memref<64x4x1x10000xf32, #tpu.memory_space<hbm>> -> memref<1x1x1x10000xf32, #tpu.memory_space<hbm>>
      %dma_start3A_116 = tpu.memref_squeeze %dma_start3A_115 : memref<1x1x1x10000xf32, #tpu.memory_space<hbm>> -> memref<10000xf32, #tpu.memory_space<hbm>>
      tpu.enqueue_dma source(%arg11 : memref<10000xf32, #tpu.memory_space<vmem>>) target(%dma_start3A_116 : memref<10000xf32, #tpu.memory_space<hbm>>) target_semaphore(%run_scoped3A_110 : memref<!tpu.dma_semaphore, #tpu.memory_space<semaphore_mem>>)
      %dma_wait3A = arith.constant 0 : i32
      %dma_wait3A_117 = tpu.memref_slice %arg5[%add3A_55, %run_scoped3A_104, %run_scoped3A_105, %dma_wait3A] : memref<64x4x1x10000xf32, #tpu.memory_space<hbm>> -> memref<1x1x1x10000xf32, #tpu.memory_space<hbm>>
      %dma_wait3A_118 = tpu.memref_squeeze %dma_wait3A_117 : memref<1x1x1x10000xf32, #tpu.memory_space<hbm>> -> memref<10000xf32, #tpu.memory_space<hbm>>
      %dma_wait3A_119 = arith.constant 0 : i32
      %dma_wait3A_120 = tpu.memref_slice %arg5[%add3A_55, %run_scoped3A_104, %run_scoped3A_105, %dma_wait3A_119] : memref<64x4x1x10000xf32, #tpu.memory_space<hbm>> -> memref<1x1x1x10000xf32, #tpu.memory_space<hbm>>
      %dma_wait3A_121 = tpu.memref_squeeze %dma_wait3A_120 : memref<1x1x1x10000xf32, #tpu.memory_space<hbm>> -> memref<10000xf32, #tpu.memory_space<hbm>>
      tpu.wait_dma2 semaphore(%run_scoped3A_110 : memref<!tpu.dma_semaphore, #tpu.memory_space<semaphore_mem>>) src(%arg11 : memref<10000xf32, #tpu.memory_space<vmem>>) dst(%dma_wait3A_121 : memref<10000xf32, #tpu.memory_space<hbm>>)
      tpu.yield
    }) : () -> ()
    %run_scoped3A_106 = arith.constant 2 : i32
    %run_scoped3A_107 = arith.constant 0 : i32
    "tpu.region"() ({
      %run_scoped3A_110 = tpu.sem_alloc : memref<!tpu.dma_semaphore, #tpu.memory_space<semaphore_mem>>
      %dma_start3A_111 = arith.constant 0 : i32
      %dma_start3A_112 = tpu.memref_slice %arg5[%add3A_55, %run_scoped3A_106, %run_scoped3A_107, %dma_start3A_111] : memref<64x4x1x10000xf32, #tpu.memory_space<hbm>> -> memref<1x1x1x10000xf32, #tpu.memory_space<hbm>>
      %dma_start3A_113 = tpu.memref_squeeze %dma_start3A_112 : memref<1x1x1x10000xf32, #tpu.memory_space<hbm>> -> memref<10000xf32, #tpu.memory_space<hbm>>
      %dma_start3A_114 = arith.constant 0 : i32
      %dma_start3A_115 = tpu.memref_slice %arg5[%add3A_55, %run_scoped3A_106, %run_scoped3A_107, %dma_start3A_114] : memref<64x4x1x10000xf32, #tpu.memory_space<hbm>> -> memref<1x1x1x10000xf32, #tpu.memory_space<hbm>>
      %dma_start3A_116 = tpu.memref_squeeze %dma_start3A_115 : memref<1x1x1x10000xf32, #tpu.memory_space<hbm>> -> memref<10000xf32, #tpu.memory_space<hbm>>
      tpu.enqueue_dma source(%arg12 : memref<10000xf32, #tpu.memory_space<vmem>>) target(%dma_start3A_116 : memref<10000xf32, #tpu.memory_space<hbm>>) target_semaphore(%run_scoped3A_110 : memref<!tpu.dma_semaphore, #tpu.memory_space<semaphore_mem>>)
      %dma_wait3A = arith.constant 0 : i32
      %dma_wait3A_117 = tpu.memref_slice %arg5[%add3A_55, %run_scoped3A_106, %run_scoped3A_107, %dma_wait3A] : memref<64x4x1x10000xf32, #tpu.memory_space<hbm>> -> memref<1x1x1x10000xf32, #tpu.memory_space<hbm>>
      %dma_wait3A_118 = tpu.memref_squeeze %dma_wait3A_117 : memref<1x1x1x10000xf32, #tpu.memory_space<hbm>> -> memref<10000xf32, #tpu.memory_space<hbm>>
      %dma_wait3A_119 = arith.constant 0 : i32
      %dma_wait3A_120 = tpu.memref_slice %arg5[%add3A_55, %run_scoped3A_106, %run_scoped3A_107, %dma_wait3A_119] : memref<64x4x1x10000xf32, #tpu.memory_space<hbm>> -> memref<1x1x1x10000xf32, #tpu.memory_space<hbm>>
      %dma_wait3A_121 = tpu.memref_squeeze %dma_wait3A_120 : memref<1x1x1x10000xf32, #tpu.memory_space<hbm>> -> memref<10000xf32, #tpu.memory_space<hbm>>
      tpu.wait_dma2 semaphore(%run_scoped3A_110 : memref<!tpu.dma_semaphore, #tpu.memory_space<semaphore_mem>>) src(%arg12 : memref<10000xf32, #tpu.memory_space<vmem>>) dst(%dma_wait3A_121 : memref<10000xf32, #tpu.memory_space<hbm>>)
      tpu.yield
    }) : () -> ()
    %run_scoped3A_108 = arith.constant 3 : i32
    %run_scoped3A_109 = arith.constant 0 : i32
    "tpu.region"() ({
      %run_scoped3A_110 = tpu.sem_alloc : memref<!tpu.dma_semaphore, #tpu.memory_space<semaphore_mem>>
      %dma_start3A_111 = arith.constant 0 : i32
      %dma_start3A_112 = tpu.memref_slice %arg5[%add3A_55, %run_scoped3A_108, %run_scoped3A_109, %dma_start3A_111] : memref<64x4x1x10000xf32, #tpu.memory_space<hbm>> -> memref<1x1x1x10000xf32, #tpu.memory_space<hbm>>
      %dma_start3A_113 = tpu.memref_squeeze %dma_start3A_112 : memref<1x1x1x10000xf32, #tpu.memory_space<hbm>> -> memref<10000xf32, #tpu.memory_space<hbm>>
      %dma_start3A_114 = arith.constant 0 : i32
      %dma_start3A_115 = tpu.memref_slice %arg5[%add3A_55, %run_scoped3A_108, %run_scoped3A_109, %dma_start3A_114] : memref<64x4x1x10000xf32, #tpu.memory_space<hbm>> -> memref<1x1x1x10000xf32, #tpu.memory_space<hbm>>
      %dma_start3A_116 = tpu.memref_squeeze %dma_start3A_115 : memref<1x1x1x10000xf32, #tpu.memory_space<hbm>> -> memref<10000xf32, #tpu.memory_space<hbm>>
      tpu.enqueue_dma source(%arg13 : memref<10000xf32, #tpu.memory_space<vmem>>) target(%dma_start3A_116 : memref<10000xf32, #tpu.memory_space<hbm>>) target_semaphore(%run_scoped3A_110 : memref<!tpu.dma_semaphore, #tpu.memory_space<semaphore_mem>>)
      %dma_wait3A = arith.constant 0 : i32
      %dma_wait3A_117 = tpu.memref_slice %arg5[%add3A_55, %run_scoped3A_108, %run_scoped3A_109, %dma_wait3A] : memref<64x4x1x10000xf32, #tpu.memory_space<hbm>> -> memref<1x1x1x10000xf32, #tpu.memory_space<hbm>>
      %dma_wait3A_118 = tpu.memref_squeeze %dma_wait3A_117 : memref<1x1x1x10000xf32, #tpu.memory_space<hbm>> -> memref<10000xf32, #tpu.memory_space<hbm>>
      %dma_wait3A_119 = arith.constant 0 : i32
      %dma_wait3A_120 = tpu.memref_slice %arg5[%add3A_55, %run_scoped3A_108, %run_scoped3A_109, %dma_wait3A_119] : memref<64x4x1x10000xf32, #tpu.memory_space<hbm>> -> memref<1x1x1x10000xf32, #tpu.memory_space<hbm>>
      %dma_wait3A_121 = tpu.memref_squeeze %dma_wait3A_120 : memref<1x1x1x10000xf32, #tpu.memory_space<hbm>> -> memref<10000xf32, #tpu.memory_space<hbm>>
      tpu.wait_dma2 semaphore(%run_scoped3A_110 : memref<!tpu.dma_semaphore, #tpu.memory_space<semaphore_mem>>) src(%arg13 : memref<10000xf32, #tpu.memory_space<vmem>>) dst(%dma_wait3A_121 : memref<10000xf32, #tpu.memory_space<hbm>>)
      tpu.yield
    }) : () -> ()
    return
  }
}

module attributes {stable_mosaic.version = 14 : i64} {
  func.func @_dinv_body(%arg0: memref<32x1x10000xf32, #tpu.memory_space<vmem>>, %arg1: memref<1x10000xf32, #tpu.memory_space<vmem>>) attributes {dimension_semantics = [], scalar_prefetch = 0 : i64, scratch_operands = 0 : i64, tpu.core_type = #tpu.core_type<tc>} {
    %get3A = arith.constant 0 : index
    %get3A_0 = arith.constant 0 : index
    %get3A_1 = arith.constant 0 : index
    %get3A_2 = vector.load %arg0[%get3A, %get3A_0, %get3A_1] : memref<32x1x10000xf32, #tpu.memory_space<vmem>>, vector<32x1x10000xf32>
    %squeeze3A = vector.shape_cast %get3A_2 : vector<32x1x10000xf32> to vector<32x10000xf32>
    %broadcast_in_dim3A = arith.constant 1.000000e+00 : f32
    %broadcast_in_dim3A_3 = vector.broadcast %broadcast_in_dim3A : f32 to vector<1x32xf32>
    %dot_general3A = arith.constant dense<0.000000e+00> : vector<1x10000xf32>
    %dot_general3A_4 = tpu.matmul %broadcast_in_dim3A_3, %squeeze3A, %dot_general3A {dimension_numbers = #tpu.dot_dimension_numbers<[1], [0], [0], [1], [0, 0, 1, 1], [], []>, transpose_lhs_hint = false} : vector<1x32xf32>, vector<32x10000xf32>, vector<1x10000xf32> -> vector<1x10000xf32>
    %add3A = arith.constant 1.000000e+00 : f32
    %add3A_5 = vector.broadcast %add3A : f32 to vector<1x10000xf32>
    %add3A_6 = arith.addf %dot_general3A_4, %add3A_5 : vector<1x10000xf32>
    %rsqrt3A = math.rsqrt %add3A_6 : vector<1x10000xf32>
    %swap3A = arith.constant 0 : index
    %swap3A_7 = arith.constant 0 : index
    %swap3A_8 = vector.load %arg1[%swap3A, %swap3A_7] : memref<1x10000xf32, #tpu.memory_space<vmem>>, vector<1x10000xf32>
    tpu.vector_store %arg1[%swap3A, %swap3A_7], %rsqrt3A {strides = array<i32>} : memref<1x10000xf32, #tpu.memory_space<vmem>>, vector<1x10000xf32>,
    return
  }
}

module attributes {stable_mosaic.version = 14 : i64} {
  func.func @_mmt_body(%arg0: memref<256x10000xf32, #tpu.memory_space<vmem>>, %arg1: memref<256x256xf32, #tpu.memory_space<vmem>>, %arg2: memref<1x10000xf32, #tpu.memory_space<vmem>>, %arg3: memref<64x4x10000xf32, #tpu.memory_space<vmem>>) attributes {dimension_semantics = [], scalar_prefetch = 0 : i64, scratch_operands = 0 : i64, tpu.core_type = #tpu.core_type<tc>} {
    %get3A = arith.constant 0 : index
    %get3A_0 = arith.constant 0 : index
    %get3A_1 = vector.load %arg0[%get3A, %get3A_0] : memref<256x10000xf32, #tpu.memory_space<vmem>>, vector<256x10000xf32>
    %get3A_2 = arith.constant 0 : index
    %get3A_3 = arith.constant 0 : index
    %get3A_4 = vector.load %arg2[%get3A_2, %get3A_3] : memref<1x10000xf32, #tpu.memory_space<vmem>>, vector<1x10000xf32>
    %mul3A = vector.broadcast %get3A_4 : vector<1x10000xf32> to vector<256x10000xf32>
    %mul3A_5 = arith.mulf %get3A_1, %mul3A : vector<256x10000xf32>
    %get3A_6 = arith.constant 0 : index
    %get3A_7 = arith.constant 0 : index
    %get3A_8 = vector.load %arg1[%get3A_6, %get3A_7] : memref<256x256xf32, #tpu.memory_space<vmem>>, vector<256x256xf32>
    %dot_general3A = arith.constant dense<0.000000e+00> : vector<256x10000xf32>
    %dot_general3A_9 = tpu.matmul %get3A_8, %mul3A_5, %dot_general3A {dimension_numbers = #tpu.dot_dimension_numbers<[0], [0], [1], [1], [0, 1, 1, 1], [], []>, transpose_lhs_hint = false} : vector<256x256xf32>, vector<256x10000xf32>, vector<256x10000xf32> -> vector<256x10000xf32>
    %reshape3A = vector.shape_cast %dot_general3A_9 : vector<256x10000xf32> to vector<64x4x10000xf32>
    %swap3A = arith.constant 0 : index
    %swap3A_10 = arith.constant 0 : index
    %swap3A_11 = arith.constant 0 : index
    %swap3A_12 = vector.load %arg3[%swap3A, %swap3A_10, %swap3A_11] : memref<64x4x10000xf32, #tpu.memory_space<vmem>>, vector<64x4x10000xf32>
    tpu.vector_store %arg3[%swap3A, %swap3A_10, %swap3A_11], %reshape3A {strides = array<i32>} : memref<64x4x10000xf32, #tpu.memory_space<vmem>>, vector<64x4x10000xf32>,
    return
  }
}

module attributes {stable_mosaic.version = 14 : i64} {
  func.func @_comb_body(%arg0: memref<64x4x10000xf32, #tpu.memory_space<vmem>>, %arg1: memref<64x4x10000xf32, #tpu.memory_space<vmem>>, %arg2: memref<1x10000xf32, #tpu.memory_space<vmem>>, %arg3: memref<256x1xf32, #tpu.memory_space<vmem>>, %arg4: memref<256x10000xf32, #tpu.memory_space<vmem>>) attributes {dimension_semantics = [], scalar_prefetch = 0 : i64, scratch_operands = 0 : i64, tpu.core_type = #tpu.core_type<tc>} {
    %get3A = arith.constant 0 : index
    %get3A_0 = arith.constant 0 : index
    %get3A_1 = arith.constant 0 : index
    %get3A_2 = vector.load %arg0[%get3A, %get3A_0, %get3A_1] : memref<64x4x10000xf32, #tpu.memory_space<vmem>>, vector<64x4x10000xf32>
    %reshape3A = vector.shape_cast %get3A_2 : vector<64x4x10000xf32> to vector<256x10000xf32>
    %get3A_3 = arith.constant 0 : index
    %get3A_4 = arith.constant 0 : index
    %get3A_5 = arith.constant 0 : index
    %get3A_6 = vector.load %arg1[%get3A_3, %get3A_4, %get3A_5] : memref<64x4x10000xf32, #tpu.memory_space<vmem>>, vector<64x4x10000xf32>
    %reshape3A_7 = vector.shape_cast %get3A_6 : vector<64x4x10000xf32> to vector<256x10000xf32>
    %add3A = arith.addf %reshape3A, %reshape3A_7 : vector<256x10000xf32>
    %get3A_8 = arith.constant 0 : index
    %get3A_9 = arith.constant 0 : index
    %get3A_10 = vector.load %arg2[%get3A_8, %get3A_9] : memref<1x10000xf32, #tpu.memory_space<vmem>>, vector<1x10000xf32>
    %mul3A = vector.broadcast %get3A_10 : vector<1x10000xf32> to vector<256x10000xf32>
    %mul3A_11 = arith.mulf %add3A, %mul3A : vector<256x10000xf32>
    %get3A_12 = arith.constant 0 : index
    %get3A_13 = arith.constant 0 : index
    %get3A_14 = vector.load %arg3[%get3A_12, %get3A_13] : memref<256x1xf32, #tpu.memory_space<vmem>>, vector<256x1xf32>
    %add3A_15 = vector.broadcast %get3A_14 : vector<256x1xf32> to vector<256x10000xf32>
    %add3A_16 = arith.addf %mul3A_11, %add3A_15 : vector<256x10000xf32>
    %swap3A = arith.constant 0 : index
    %swap3A_17 = arith.constant 0 : index
    %swap3A_18 = vector.load %arg4[%swap3A, %swap3A_17] : memref<256x10000xf32, #tpu.memory_space<vmem>>, vector<256x10000xf32>
    tpu.vector_store %arg4[%swap3A, %swap3A_17], %add3A_16 {strides = array<i32>} : memref<256x10000xf32, #tpu.memory_space<vmem>>, vector<256x10000xf32>,
    return
  }
}

module attributes {stable_mosaic.version = 14 : i64} {
  func.func @_lnt_body(%arg0: memref<256x10000xf32, #tpu.memory_space<vmem>>, %arg1: memref<256x1xf32, #tpu.memory_space<vmem>>, %arg2: memref<256x1xf32, #tpu.memory_space<vmem>>, %arg3: memref<1x1xf32, #tpu.memory_space<vmem>>, %arg4: memref<1x1xf32, #tpu.memory_space<vmem>>, %arg5: memref<256x10000xf32, #tpu.memory_space<vmem>>, %arg6: memref<256x10000xf32, #tpu.memory_space<vmem>>) attributes {dimension_semantics = [], scalar_prefetch = 0 : i64, scratch_operands = 0 : i64, tpu.core_type = #tpu.core_type<tc>} {
    %get3A = arith.constant 0 : index
    %get3A_0 = arith.constant 0 : index
    %get3A_1 = vector.load %arg0[%get3A, %get3A_0] : memref<256x10000xf32, #tpu.memory_space<vmem>>, vector<256x10000xf32>
    %broadcast_in_dim3A = arith.constant 1.000000e+00 : f32
    %broadcast_in_dim3A_2 = vector.broadcast %broadcast_in_dim3A : f32 to vector<1x256xf32>
    %dot_general3A = arith.constant dense<0.000000e+00> : vector<1x10000xf32>
    %dot_general3A_3 = tpu.matmul %broadcast_in_dim3A_2, %get3A_1, %dot_general3A {dimension_numbers = #tpu.dot_dimension_numbers<[1], [0], [0], [1], [0, 0, 1, 1], [], []>, transpose_lhs_hint = false} : vector<1x256xf32>, vector<256x10000xf32>, vector<1x10000xf32> -> vector<1x10000xf32>
    %div3A = arith.constant 2.560000e+02 : f32
    %div3A_4 = vector.broadcast %div3A : f32 to vector<1x10000xf32>
    %div3A_5 = arith.divf %dot_general3A_3, %div3A_4 : vector<1x10000xf32>
    %sub3A = vector.broadcast %div3A_5 : vector<1x10000xf32> to vector<256x10000xf32>
    %sub3A_6 = arith.subf %get3A_1, %sub3A : vector<256x10000xf32>
    %mul3A = arith.mulf %sub3A_6, %sub3A_6 : vector<256x10000xf32>
    %dot_general3A_7 = arith.constant dense<0.000000e+00> : vector<1x10000xf32>
    %dot_general3A_8 = tpu.matmul %broadcast_in_dim3A_2, %mul3A, %dot_general3A_7 {dimension_numbers = #tpu.dot_dimension_numbers<[1], [0], [0], [1], [0, 0, 1, 1], [], []>, transpose_lhs_hint = false} : vector<1x256xf32>, vector<256x10000xf32>, vector<1x10000xf32> -> vector<1x10000xf32>
    %div3A_9 = arith.constant 2.560000e+02 : f32
    %div3A_10 = vector.broadcast %div3A_9 : f32 to vector<1x10000xf32>
    %div3A_11 = arith.divf %dot_general3A_8, %div3A_10 : vector<1x10000xf32>
    %add3A = arith.constant 9.99999974E-6 : f32
    %add3A_12 = vector.broadcast %add3A : f32 to vector<1x10000xf32>
    %add3A_13 = arith.addf %div3A_11, %add3A_12 : vector<1x10000xf32>
    %rsqrt3A = math.rsqrt %add3A_13 : vector<1x10000xf32>
    %mul3A_14 = vector.broadcast %rsqrt3A : vector<1x10000xf32> to vector<256x10000xf32>
    %mul3A_15 = arith.mulf %sub3A_6, %mul3A_14 : vector<256x10000xf32>
    %get3A_16 = arith.constant 0 : index
    %get3A_17 = arith.constant 0 : index
    %get3A_18 = vector.load %arg1[%get3A_16, %get3A_17] : memref<256x1xf32, #tpu.memory_space<vmem>>, vector<256x1xf32>
    %mul3A_19 = vector.broadcast %get3A_18 : vector<256x1xf32> to vector<256x10000xf32>
    %mul3A_20 = arith.mulf %mul3A_15, %mul3A_19 : vector<256x10000xf32>
    %get3A_21 = arith.constant 0 : index
    %get3A_22 = arith.constant 0 : index
    %get3A_23 = vector.load %arg2[%get3A_21, %get3A_22] : memref<256x1xf32, #tpu.memory_space<vmem>>, vector<256x1xf32>
    %add3A_24 = vector.broadcast %get3A_23 : vector<256x1xf32> to vector<256x10000xf32>
    %add3A_25 = arith.addf %mul3A_20, %add3A_24 : vector<256x10000xf32>
    %max3A = arith.constant 0.000000e+00 : f32
    %max3A_26 = vector.broadcast %max3A : f32 to vector<256x10000xf32>
    %max3A_27 = arith.maximumf %add3A_25, %max3A_26 : vector<256x10000xf32>
    %get3A_28 = arith.constant 0 : index
    %get3A_29 = arith.constant 0 : index
    %get3A_30 = vector.load %arg3[%get3A_28, %get3A_29] : memref<1x1xf32, #tpu.memory_space<vmem>>, vector<1x1xf32>
    %mul3A_31 = vector.broadcast %get3A_30 : vector<1x1xf32> to vector<256x10000xf32>
    %mul3A_32 = arith.mulf %mul3A_31, %max3A_27 : vector<256x10000xf32>
    %sub3A_33 = arith.constant 1.000000e+00 : f32
    %sub3A_34 = vector.broadcast %sub3A_33 : f32 to vector<1x1xf32>
    %sub3A_35 = arith.subf %sub3A_34, %get3A_30 : vector<1x1xf32>
    %mul3A_36 = vector.broadcast %sub3A_35 : vector<1x1xf32> to vector<256x10000xf32>
    %mul3A_37 = arith.mulf %mul3A_36, %get3A_1 : vector<256x10000xf32>
    %add3A_38 = arith.addf %mul3A_32, %mul3A_37 : vector<256x10000xf32>
    %get3A_39 = arith.constant 0 : index
    %get3A_40 = arith.constant 0 : index
    %get3A_41 = vector.load %arg4[%get3A_39, %get3A_40] : memref<1x1xf32, #tpu.memory_space<vmem>>, vector<1x1xf32>
    %get3A_42 = arith.constant 0 : index
    %get3A_43 = arith.constant 0 : index
    %get3A_44 = vector.load %arg5[%get3A_42, %get3A_43] : memref<256x10000xf32, #tpu.memory_space<vmem>>, vector<256x10000xf32>
    %mul3A_45 = vector.broadcast %get3A_41 : vector<1x1xf32> to vector<256x10000xf32>
    %mul3A_46 = arith.mulf %mul3A_45, %get3A_44 : vector<256x10000xf32>
    %add3A_47 = arith.addf %add3A_38, %mul3A_46 : vector<256x10000xf32>
    %swap3A = arith.constant 0 : index
    %swap3A_48 = arith.constant 0 : index
    %swap3A_49 = vector.load %arg6[%swap3A, %swap3A_48] : memref<256x10000xf32, #tpu.memory_space<vmem>>, vector<256x10000xf32>
    tpu.vector_store %arg6[%swap3A, %swap3A_48], %add3A_47 {strides = array<i32>} : memref<256x10000xf32, #tpu.memory_space<vmem>>, vector<256x10000xf32>,
    return
  }
}

module attributes {stable_mosaic.version = 14 : i64} {
  func.func @_trans_body(%arg0: memref<256x10000xf32, #tpu.memory_space<vmem>>, %arg1: memref<10000x256xf32, #tpu.memory_space<vmem>>) attributes {dimension_semantics = [], scalar_prefetch = 0 : i64, scratch_operands = 0 : i64, tpu.core_type = #tpu.core_type<tc>} {
    %get3A = arith.constant 0 : index
    %get3A_0 = arith.constant 0 : index
    %get3A_1 = vector.load %arg0[%get3A, %get3A_0] : memref<256x10000xf32, #tpu.memory_space<vmem>>, vector<256x10000xf32>
    %transpose3A = tpu.transpose %get3A_1, [1, 0] : vector<256x10000xf32> -> vector<10000x256xf32>
    %swap3A = arith.constant 0 : index
    %swap3A_2 = arith.constant 0 : index
    %swap3A_3 = vector.load %arg1[%swap3A, %swap3A_2] : memref<10000x256xf32, #tpu.memory_space<vmem>>, vector<10000x256xf32>
    tpu.vector_store %arg1[%swap3A, %swap3A_2], %transpose3A {strides = array<i32>} : memref<10000x256xf32, #tpu.memory_space<vmem>>, vector<10000x256xf32>,
    return
  }
}

</mosaic_0001>

<sc_bundles>
// kernel: closed_call.15.cloned.1.call-start
scs
__scs_entry_jumppad:
0x0: {  	(pc) =	sbr.rel $0x88, $3  }
0x1: {  	(tag) =	ssettag $0x0;
	lr =	simm.s32 $0x1  }
0x2: {  	[smem:$0x3F95] =	sst lr;
	_ =	strace $0xD0000000  }
0x3: {  	_ = 	snop  }
0x4: {  	_ = 	snop  }
0x5: {  	_ = 	snop  }
0x6: {  	_ = 	snop  }
0x7: {  	_ = 	snop  }
__scs_overlays_trampoline_lowered:
0x8: {  	[smem:$0x3FA4] =	sst s0  }
0x9: {  	[smem:$0x3FA5] =	sst s1  }
0xa: {  	[smem:$0x3FA6] =	sst s2  }
0xb: {  	[smem:$0x3FA7] =	sst s3  }
0xc: {  	[smem:$0x3FA8] =	sst s4  }
0xd: {  	[smem:$0x3FA9] =	sst s5  }
0xe: {  	[smem:$0x3FAA] =	sst s6  }
0xf: {  	[smem:$0x3FAB] =	sst s7  }
0x10: {  	[smem:$0x3FAC] =	sst s8  }
0x11: {  	[smem:$0x3FAD] =	sst s9;
	s0 =	simm.s32 @!p0 $0x0  }
0x12: {  	s1 =	sld [smem:$0x3F93];
	s0 =	simm.s32 @p0 $0x1  }
0x13: {  	[smem:$0x3FAE] =	sst s0;
	s0 =	simm.s32 @!p1 $0x0  }
0x14: {  	s2 =	sld [smem:$0x3F92];
	s0 =	simm.s32 @p1 $0x1  }
0x15: {  	[smem:$0x3FAF] =	sst s0;
	s0 =	simm.s32 @!p2 $0x0  }
0x16: {  	s3 =	sld [smem:$0x3FDB];
	s0 =	simm.s32 @p2 $0x1  }
0x17: {  	s4 =	simm.s32 $0x1BF5;
	[smem:$0x3FB1] =	sst s0  }
0x18: {  	s0 =	sld [smem:$0x3F94];
	_ =	swait.ge [sflag:s4], $0x0  }
0x19: {  	s7 =	sld [smem:$0x3F95]  }
0x1a: {  	s8 =	sadd.s32 $0xFFFFE003, lr  }
0x1b: {  	s9 =	sadd.s32 $0xFFFFFEF7, lr;
	s5 =	simm.s32 $0xFFFFFFFF;
	p2 =	slt.u32 s8, $0xFFFFF086  }
0x1c: {  	p1 =	slt.u32 s9, $0xF7A;
	s5 =	simm.s32 @!p2 $0x0  }
0x1d: {  	s5 =	simm.s32 @p1 $0x1;
	p0 =	seq.s32 s7, s2  }
0x1e: {  	s7 =	smul.u32 @!p0 $0xF7A, s2;
	p2 =	seq.s32 @!p0 s5, $0x0  }
0x1f: {  	s9 =	smul.u32 $0xF7A, s1;
	s8 =	simm.s32 @!p0 $0x1BF5;
	p2 =	por !p2, p0  }
0x20: {  	[sflag:s8] =	ssyncset.s32 @!p0 $0xFFFFF086;
	s6 =	sadd.s32 @!p0 s3, s7;
	s7 =	simm.s32 @!p0 $0x108  }
0x21: {  	s3 =	sadd.s32 s3, s9;
	s6 =	sadd.s32 @!p0 $0x88, s6;
	s7 =	simm.s32 @p2 $0x1082  }
0x22: {  	[simem:s7], [sflag:s8] =	dma.local @!p0 [hbm:s6], $0xF7A  }
0x23: {  	s9 =	sor.u32 $0xD0000000, s2;
	s6 =	simm.s32 $0x108;
	_ =	swait.ge @!p0 [sflag:s8], $0x0  }
0x24: {  	s3 =	sadd.s32 $0x88, s3;
	s6 =	simm.s32 @!p1 $0x1082;
	[sflag:s4] =	ssyncset.s32 $0xFFFFF086  }
0x25: {  	[simem:s6], [sflag:s4] =	dma.local [hbm:s3], $0xF7A  }
0x26: {  	[smem:$0x3F95] =	sst s1;
	(tag) =	ssettag s2;
	_ =	strace s9  }
0x27: {  	s1 =	sld [smem:$0x3FA5]  }
0x28: {  	s2 =	sld [smem:$0x3FA6]  }
0x29: {  	s4 =	sld [smem:$0x3FA8]  }
0x2a: {  	p0 =	seq.s32 s5, $0x0;
	s5 =	sld [smem:$0x3FA9]  }
0x2b: {  	s6 =	sld [smem:$0x3FAA]  }
0x2c: {  	s7 =	sld [smem:$0x3FAB]  }
0x2d: {  	s3 =	simm.s32 $0x108;
	s8 =	sld [smem:$0x3FAC]  }
0x2e: {  	s3 =	simm.s32 @!p0 $0x1082;
	s9 =	sld [smem:$0x3FAD]  }
0x2f: {  	lr =	sadd.s32 s0, s3;
	s0 =	sld [smem:$0x3FA4]  }
0x30: {  	s3 =	sld [smem:$0x3FA7]  }
0x31: {  	[smem:$0x3FB0] =	sst s10  }
0x32: {  	s10 =	sld [smem:$0x3FAE];
	_ =	sdelay $0x3  }
0x33: {  	p0 =	seq.s32 s10, $0x1;
	s10 =	sld [smem:$0x3FB0];
	_ =	sdelay $0x3  }
0x34: {  	[smem:$0x3FB0] =	sst s10  }
0x35: {  	s10 =	sld [smem:$0x3FAF];
	_ =	sdelay $0x3  }
0x36: {  	p1 =	seq.s32 s10, $0x1;
	s10 =	sld [smem:$0x3FB0];
	_ =	sdelay $0x3  }
0x37: {  	[smem:$0x3FB0] =	sst s10  }
0x38: {  	s10 =	sld [smem:$0x3FB1]  }
0x39: {  	_ = 	snop;
	(pc) =	sbr.ind lr, $3  }
0x3a: {  	_ = 	snop  }
0x3b: {  	_ = 	snop  }
0x3c: {  	p2 =	seq.s32 s10, $0x1;
	s10 =	sld [smem:$0x3FB0]  }
0x3d: {  	_ =	shalt  }
0x3e: {  	_ =	shalt  }
0x3f: {  	_ =	shalt  }
0x40: {  	_ =	shalt  }
0x41: {  	_ =	shalt  }
0x42: {  	_ =	shalt  }
0x43: {  	_ =	shalt  }
0x44: {  	_ =	shalt  }
0x45: {  	_ =	shalt  }
0x46: {  	_ =	shalt  }
0x47: {  	_ =	shalt  }
0x48: {  	_ =	shalt  }
0x49: {  	_ =	shalt  }
0x4a: {  	_ =	shalt  }
0x4b: {  	_ =	shalt  }
0x4c: {  	_ =	shalt  }
0x4d: {  	_ =	shalt  }
0x4e: {  	_ =	shalt  }
0x4f: {  	_ =	shalt  }
0x50: {  	_ =	shalt  }
0x51: {  	_ =	shalt  }
0x52: {  	_ =	shalt  }
0x53: {  	_ =	shalt  }
0x54: {  	_ =	shalt  }
0x55: {  	_ =	shalt  }
0x56: {  	_ =	shalt  }
0x57: {  	_ =	shalt  }
0x58: {  	_ =	shalt  }
0x59: {  	_ =	shalt  }
0x5a: {  	_ =	shalt  }
0x5b: {  	_ =	shalt  }
0x5c: {  	_ =	shalt  }
0x5d: {  	_ =	shalt  }
0x5e: {  	_ =	shalt  }
0x5f: {  	_ =	shalt  }
0x60: {  	_ =	shalt  }
0x61: {  	_ =	shalt  }
0x62: {  	_ =	shalt  }
0x63: {  	_ =	shalt  }
0x64: {  	_ =	shalt  }
0x65: {  	_ =	shalt  }
0x66: {  	_ =	shalt  }
0x67: {  	_ =	shalt  }
0x68: {  	_ =	shalt  }
0x69: {  	_ =	shalt  }
0x6a: {  	_ =	shalt  }
0x6b: {  	_ =	shalt  }
0x6c: {  	_ =	shalt  }
0x6d: {  	_ =	shalt  }
0x6e: {  	_ =	shalt  }
0x6f: {  	_ =	shalt  }
0x70: {  	_ =	shalt  }
0x71: {  	_ =	shalt  }
0x72: {  	_ =	shalt  }
0x73: {  	_ =	shalt  }
0x74: {  	_ =	shalt  }
0x75: {  	_ =	shalt  }
0x76: {  	_ =	shalt  }
0x77: {  	_ =	shalt  }
0x78: {  	_ =	shalt  }
0x79: {  	_ =	shalt  }
0x7a: {  	_ =	shalt  }
0x7b: {  	_ =	shalt  }
0x7c: {  	_ =	shalt  }
0x7d: {  	_ =	shalt  }
0x7e: {  	_ =	shalt  }
0x7f: {  	_ =	shalt  }
0x80: {  	_ =	shalt  }
0x81: {  	_ =	shalt  }
0x82: {  	_ =	shalt  }
0x83: {  	_ =	shalt  }
0x84: {  	_ =	shalt  }
0x85: {  	_ =	shalt  }
0x86: {  	_ =	shalt  }
0x87: {  	_ =	shalt  }
.Lfunc_end0:
.L_simem_size_0:
called_computation_lowered:
.L_overlay_start_0:
0x88: {  	s2 =	sld [smem:$0x3FD9]  }
0x89: {  	s3 =	sld [smem:$0x3FFE];
	_ =	sdelay $0x1  }
0x8a: {  	s1 =	srdreg.scid  }
0x8b: {  	s0 =	sand.u32 $0x1, s1  }
0x8c: {  	s17 =	sshll.u32 s0, $0xA;
	s2 =	sadd.s32 s3, s2  }
0x8d: {  	s2 =	sadd.s32 s2, s17  }
0x8e: {  	[smem:$0x3FBC] =	sst s2  }
0x8f: {  	_ = 	snop  }
0x90: {  	s2 =	sld [smem:$0x3FD0];
	(tm) =	ssettm $0x1  }
0x91: {  	s18 =	sld [smem:$0x3FFB];
	_ =	sdelay $0x3  }
0x92: {  	_ =	strace s18  }
0x93: {  	s3 =	sld [smem:$0x3FFC];
	_ =	sdelay $0x3  }
0x94: {  	_ =	strace s3  }
0x95: {  	s3 =	sld [smem:$0x3FFD];
	_ =	sdelay $0x3  }
0x96: {  	_ =	strace s3  }
0x97: {  	_ =	strace $0x8FFFFFFF  }
0x98: {  	s19 =	sld [smem:$0x3FDB];
	_ =	sdelay $0x1  }
0x99: {  	s4 =	simm.s32 $_scs_section_size  }
0x9a: {  	s5 =	simm.s32 $_size__tile_overlayer_lowered;
	s6 =	simm.s32 $_tile_overlayer_lowered  }
0x9b: {  	s22 =	simm.s32 $0x1BFF;
	s21 =	sshll.u32 s6, $0x1;
	s3 =	sadd.s32 s4, s19  }
0x9c: {  	s7 =	simm.s32 $0x0;
	s20 =	sshll.u32 s5, $0x1;
	s5 =	sadd.s32 s21, s3  }
0x9d: {  	[timem:s7], [sflag:s22] =	dma.local [hbm:s5], s20  }
0x9e: {  	_ =	swait.ge [sflag:s22], s20  }
0x9f: {  	s4 =	ssub.s32 $0x0, s20;
	[sflag:s22] =	ssyncset.done $0x0  }
0xa0: {  	[sflag:s22] =	ssyncadd.s32 s4;
	_ =	sdelay $0x1  }
0xa1: {  	s23 =	simm.s32 $0x1B8B  }
0xa2: {  	_ =	swait.ge [sflag:s23], $0x1  }
0xa3: {  	[sflag:s23] =	ssyncset.done $0x0  }
0xa4: {  	s25 =	simm.s32 $0x1B8E;
	s24 =	sld [smem:$0x3FFE];
	[sflag:s23] =	ssyncadd.s32 $0xFFFFFFFF  }
0xa5: {  	s26 =	simm.s32 $execute0_lowered;
	[smem:$0x3FD2] =	sst s25  }
0xa6: {  	s5 =	sshll.u32 s26, $0x1;
	_ =	strace $0x80000049;
	[dreg:$0x1] =	wrdreg $0xFFFFFFFF  }
0xa7: {  	s28 =	simm.s32 $_size_execute0_lowered;
	s3 =	sadd.s32 s3, s5;
	[dreg:$0x0] =	wrdreg $0x0  }
0xa8: {  	s5 =	sshll.u32 s28, $0x1;
	[dreg:$0x2] =	wrdreg s3  }
0xa9: {  	[dreg:$0x3] =	wrdreg s5  }
0xaa: {  	[dreg:$0x4] =	wrdreg $0xC0  }
0xab: {  	_ =	task [dreg:s7], $0x5FFFF  }
0xac: {  	[dreg:$0x1] =	wrdreg $0xFFFFFFFF  }
0xad: {  	[dreg:$0x0] =	wrdreg $0x60  }
0xae: {  	[dreg:$0x2] =	wrdreg s24  }
0xaf: {  	[dreg:$0x3] =	wrdreg s2  }
0xb0: {  	[dreg:$0x4] =	wrdreg $0x9  }
0xb1: {  	_ =	task.clear_ibuf [dreg:s7], $0x5FFFF;
	_ =	strace $0x90000049  }
0xb2: {  	s29 =	simm.s32 $0x9;
	_ =	strace $0x8000004B  }
0xb3: {  	_ =	swait.ge [sflag:s29], $0x1  }
0xb4: {  	[sflag:s29] =	ssyncadd.s32 $0xFFFFFFFF  }
0xb5: {  	_ =	strace $0x9000004B  }
0xb6: {  	_ =	sfence  }
0xb7: {  	s30 =	sld [smem:$0x0];
	_ =	sdelay $0x2  }
0xb8: {  	s31 =	sshll.u32 s1, $0xD;
	s1 =	sshrl.u32 s1, $0x2  }
0xb9: {  	s3 =	sand.u32 $0x4000, s31;
	s1 =	sadd.s32 s1, s30  }
0xba: {  	s0 =	sor.u32 s3, s0;
	s1 =	sshll.u32 s1, $0x11  }
0xbb: {  	s0 =	sor.u32 s1, s0  }
0xbc: {  	s0 =	sadd.s32 $0x8F2B, s0  }
0xbd: {  	[sflag:s0] =	ssyncadd.remote.s32 $0x1  }
0xbe: {  	_ =	sfence.sel $0xFFFF  }
0xbf: {  	[dreg:$0x0] =	wrdreg $0xFFFFFFFF;
	(pc) =	sbr.abs _section_cstart, $3  }
0xc0: {  	[dreg:$0x1] =	wrdreg $0xFFFFFFFF  }
0xc1: {  	_ =	task.clear_ibuf [dreg:s7], $0x2FFFF;
	_ =	strace $0x9FFFFFFF  }
0xc2: {  	(tm) =	ssettm $0x7FFFFFFF  }
0xc3: {  	_ =	shalt  }
tec
execute0_lowered:
.L_overlay_start_1:
0x0: {  	(tag) =	ssettag $0x1  }
0x1: {  	s0 =	rddreg [dreg:$0x0];
	s2 =	srdreg.scid  }
0x2: {  	s1 =	rddreg [dreg:$0x1];
	s3 =	simm.s32 $0x0;
	s2 =	sand.u32 $0x1, s2  }
0x3: {  	s5 =	stileid.u32;
	s28 =	simm.s32 $0x15B80;
	s4 =	sshll.u32 s2, $0x4  }
0x4: {  	s29 =	simm.s32 $0x1;
	s30 =	simm.s32 $0x9E00;
	s4 =	sor.u32 s5, s4  }
0x5: {  	s31 =	simm.s32 $0xC580;
	[smem:$0x7FF] =	sst s3;
	s5 =	smul.u32 $0x9E00, s4  }
0x6: {  	s6 =	sadd.s32 $0xBAE00, s0;
	_ =	strace $0x8000004A;
	s2 =	ssub.s32 $0x2, s2  }
0x7: {  	s7 =	sshrl.u32 s2, $0x1;
	s4 =	sadd.s32 $0x3000, s0;
	s5 =	sshrl.u32 s5, $0x3  }
0x8: {  	s0 =	sadd.s32 $0x109E00, s0;
	s2 =	ssub.s32 s2, s7;
	s17 =	sadd.s32 s6, s5  }
0x9: {  	s18 =	sadd.s32 $0x4F0, s5;
	s8 =	sadd.s32 $0x9E0, s5;
	s20 =	sadd.s32 $0xED0, s5  }
0xa: {  	s21 =	sadd.s32 s0, s5;
	s24 =	sadd.s32 $0x27800, s5;
	s25 =	sadd.s32 $0x27CF0, s5  }
0xb: {  	s26 =	sadd.s32 $0x281E0, s5;
	s5 =	sadd.s32 $0x286D0, s5;
	[dreg:$0x3] =	wrdreg s17  }
0xc: {  	s9 =	sadd.s32 s6, s18;
	s19 =	sadd.s32 s6, s8;
	s10 =	sadd.s32 s6, s20  }
0xd: {  	[dreg:$0x7] =	wrdreg s21;
	s7 =	sadd.s32 s0, s18;
	s22 =	sadd.s32 s0, s8  }
0xe: {  	s23 =	sadd.s32 s0, s20;
	s13 =	sadd.s32 s6, s24;
	s14 =	sadd.s32 s6, s25  }
0xf: {  	s15 =	sadd.s32 s6, s26;
	s16 =	sadd.s32 s6, s5;
	[dreg:$0x4] =	wrdreg s9  }
0x10: {  	s17 =	sadd.s32 s0, s24;
	s18 =	sadd.s32 s0, s25;
	[dreg:$0x5] =	wrdreg s19  }
0x11: {  	s20 =	sadd.s32 s0, s5;
	s21 =	smax.u32 s2, $0x1;
	[dreg:$0x6] =	wrdreg s10  }
0x12: {  	s24 =	simm.s32 $0x4F00;
	s25 =	simm.s32 $0x7680;
	[dreg:$0x8] =	wrdreg s7  }
0x13: {  	s2 =	simm.s32 $0x11480;
	s5 =	simm.s32 $0x0;
	[dreg:$0x9] =	wrdreg s22  }
0x14: {  	[dreg:$0xa] =	wrdreg s23;
	s19 =	sadd.s32 s0, s26;
	s22 =	simm.s32 $0x2  }
0x15: {  	v0 =	vimm.f32 $0.0e+00;
	s23 =	simm.s32 $0x2780;
	s26 =	simm.s32 $0x13C00;
	s0 =	simm.s32 $0xED00  }
.LBB2_1:
0x16: {  	s6 =	rddreg [dreg:$0x3]  }
0x17: {  	[tilespmem:s3], [sflag:$0x2] =	stream.linear.gather [hbm4b:s6+s3], $0x2780, $0x38;
	[tilespmem:$0x17B00] =	vst v63  }
0x18: {  	_ =	swait.ge [sflag:s22], $0x2780  }
0x19: {  	[sflag:s22] =	ssyncset.done $0x0  }
0x1a: {  	s10 =	rddreg [dreg:$0x4];
	[sflag:s22] =	ssyncadd.s32 $0xFFFFD880  }
0x1b: {  	[tilespmem:s23], [sflag:$0x2] =	stream.linear.gather [hbm4b:s10+s3], $0x2780, $0x38;
	[tilespmem:$0x17B00] =	vst v63  }
0x1c: {  	_ =	swait.ge [sflag:s22], $0x2780  }
0x1d: {  	[sflag:s22] =	ssyncset.done $0x0  }
0x1e: {  	s11 =	rddreg [dreg:$0x5];
	[sflag:s22] =	ssyncadd.s32 $0xFFFFD880  }
0x1f: {  	[tilespmem:s24], [sflag:$0x2] =	stream.linear.gather [hbm4b:s11+s3], $0x2780, $0x38;
	[tilespmem:$0x17B00] =	vst v63  }
0x20: {  	_ =	swait.ge [sflag:s22], $0x2780  }
0x21: {  	[sflag:s22] =	ssyncset.done $0x0  }
0x22: {  	s12 =	rddreg [dreg:$0x6];
	[sflag:s22] =	ssyncadd.s32 $0xFFFFD880  }
0x23: {  	[tilespmem:s25], [sflag:$0x2] =	stream.linear.gather [hbm4b:s12+s3], $0x2780, $0x38;
	[tilespmem:$0x17B00] =	vst v63  }
0x24: {  	_ =	swait.ge [sflag:s22], $0x2780  }
0x25: {  	[sflag:s22] =	ssyncset.done $0x0  }
0x26: {  	s7 =	simm.s32 $0x40;
	s6 =	simm.s32 $0x0;
	[sflag:s22] =	ssyncadd.s32 $0xFFFFD880  }
.LBB2_2:
0x27: {  	p0 =	sne.s32 s7, $0x9C00;
	[tilespmem:s6+$0x11480] =	vst v0;
	s8 =	smov.u32 s7;
	s7 =	sadd.s32 $0x40, s7  }
.Ltmp0:
0x28: {  	[tilespmem:s6+$0xED00] =	vst v0;
	(pc) =	sbr.rel @p0 .LBB2_2-.Ltmp0, $3  }
0x29: {  	[tilespmem:s6+$0x9E00] =	vst v0  }
0x2a: {  	[tilespmem:s6+$0xC580] =	vst v0;
	_ =	sdelay $0x1  }
0x2b: {  	s6 =	sshra.s32 s8, $0x2  }
0x2c: {  	[tilespmem:s6+$0x11480] =	vst v0  }
0x2d: {  	[tilespmem:s6+$0xED00] =	vst v0  }
0x2e: {  	[tilespmem:s6+$0x9E00] =	vst v0  }
0x2f: {  	[tilespmem:s6+$0xC580] =	vst v0;
	s6 =	simm.s32 $0x0  }
0x30: {  	[tilespmem:s26], [sflag:$0x1] =	stream.linear.gather [hbm4b:s1+s6], $0xFA0, $0x38;
	[tilespmem:$0x17B00] =	vst v63  }
0x31: {  	p0 =	por $0x0, $0x0  }
0x32: {  	[tilespmem:s28], [sflag:$0x1] =	stream.linear.gather [hbm4b:s4+s6], $0xFA0, $0x38;
	[tilespmem:$0x17B00] =	vst v63  }
.LBB2_5:
0x33: {  	s7 =	simm.s32 $0x1  }
0x34: {  	_ =	swait.ge [sflag:s29], $0xFA0;
	s8 =	sand.u32 $0x1, s6;
	p1 =	seq.s32 s6, $0x4F  }
0x35: {  	s6 =	sadd.s32 $0x1, s6;
	s7 =	simm.s32 @!p0 $0x0;
	[sflag:s29] =	ssyncset.done $0x0  }
0x36: {  	s8 =	sxor.u32 @!p1 $0x1, s8;
	[sflag:s29] =	ssyncadd.s32 $0xFFFFF060;
	s7 =	smul.u32 $0x3E80, s7  }
0x37: {  	s9 =	sshll.u32 @!p1 s6, $0x9;
	s8 =	smul.u32 @!p1 $0xFA0, s8;
	_ =	swait.ge [sflag:s29], $0xFA0  }
0x38: {  	s12 =	simm.s32 @!p1 $0x0;
	s11 =	sadd.s32 @!p1 s1, s9;
	[sflag:s29] =	ssyncset.done $0x0  }
0x39: {  	s7 =	sshrl.u32 s7, $0x2;
	s10 =	sadd.s32 @!p1 $0x13C00, s8;
	[sflag:s29] =	ssyncadd.s32 $0xFFFFF060  }
0x3a: {  	[tilespmem:s10], [sflag:$0x1] =	stream.linear.gather @!p1 [hbm4b:s11+s12], $0xFA0, $0x38;
	[tilespmem:$0x17B00] =	vst v63  }
0x3b: {  	s9 =	sadd.s32 @!p1 s4, s9;
	s8 =	sadd.s32 @!p1 $0x15B80, s8;
	s11 =	sadd.s32 $0x13C20, s7  }
0x3c: {  	[tilespmem:s8], [sflag:$0x1] =	stream.linear.gather @!p1 [hbm4b:s9+s12], $0xFA0, $0x38;
	[tilespmem:$0x17B00] =	vst v63  }
0x3d: {  	v4 =	vld [tilespmem:s11+$0x20]  }
0x3e: {  	v5 =	vld [tilespmem:s11+$0xFFFFFFF0]  }
0x3f: {  	v7 =	vld [tilespmem:s11+$0x0]  }
0x40: {  	s7 =	sadd.s32 $0x15BA0, s7;
	v6 =	vld [tilespmem:s11+$0xFFFFFFE0]  }
0x41: {  	v8 =	vld [tilespmem:s7+$0x20]  }
0x42: {  	v9 =	vld [tilespmem:s11+$0x10]  }
0x43: {  	v10 =	vld [tilespmem:s7+$0xFFFFFFE0]  }
0x44: {  	v3 =	vld [tilespmem:s7+$0xFFFFFFF0]  }
0x45: {  	v2 =	vld [tilespmem:s7+$0x0]  }
0x46: {  	v1 =	vld.idx.msk [tilespmem:v4+s3+$0x0], $0xffff  }
0x47: {  	v11 =	vld.idx.msk [tilespmem:v5+s3+$0x0], $0xffff  }
0x48: {  	v13 =	vld.idx.msk [tilespmem:v6+s3+$0x0], $0xffff  }
0x49: {  	v12 =	vld.idx.msk [tilespmem:v7+s3+$0x0], $0xffff  }
0x4a: {  	v15 =	vld.idx.msk [tilespmem:v9+s3+$0x0], $0xffff  }
0x4b: {  	[tilespmem:v8+s30+$0x0] =	vst.idx.add.f32.msk $0xffff, v1  }
0x4c: {  	v1 =	vld [tilespmem:s7+$0x10]  }
0x4d: {  	[tilespmem:v10+s30+$0x0] =	vst.idx.add.f32.msk $0xffff, v13  }
0x4e: {  	[tilespmem:v3+s30+$0x0] =	vst.idx.add.f32.msk $0xffff, v11  }
0x4f: {  	v14 =	vld.idx.msk [tilespmem:v4+s23+$0x0], $0xffff  }
0x50: {  	v13 =	vld.idx.msk [tilespmem:v6+s23+$0x0], $0xffff  }
0x51: {  	v11 =	vld.idx.msk [tilespmem:v5+s23+$0x0], $0xffff  }
0x52: {  	[tilespmem:v2+s30+$0x0] =	vst.idx.add.f32.msk $0xffff, v12  }
0x53: {  	v12 =	vld.idx.msk [tilespmem:v7+s23+$0x0], $0xffff  }
0x54: {  	[tilespmem:v8+s31+$0x0] =	vst.idx.add.f32.msk $0xffff, v14  }
0x55: {  	[tilespmem:v10+s31+$0x0] =	vst.idx.add.f32.msk $0xffff, v13  }
0x56: {  	[tilespmem:v3+s31+$0x0] =	vst.idx.add.f32.msk $0xffff, v11  }
0x57: {  	v14 =	vld.idx.msk [tilespmem:v4+s24+$0x0], $0xffff  }
0x58: {  	[tilespmem:v2+s31+$0x0] =	vst.idx.add.f32.msk $0xffff, v12  }
0x59: {  	v62 =	vld.idx.msk [tilespmem:v6+s24+$0x0], $0xffff  }
0x5a: {  	[tilespmem:v1+s30+$0x0] =	vst.idx.add.f32.msk $0xffff, v15  }
0x5b: {  	v61 =	vld.idx.msk [tilespmem:v9+s23+$0x0], $0xffff  }
0x5c: {  	[tilespmem:v8+s0+$0x0] =	vst.idx.add.f32.msk $0xffff, v14  }
0x5d: {  	v4 =	vld.idx.msk [tilespmem:v4+s25+$0x0], $0xffff  }
0x5e: {  	[tilespmem:v10+s0+$0x0] =	vst.idx.add.f32.msk $0xffff, v62  }
0x5f: {  	v11 =	vld.idx.msk [tilespmem:v6+s25+$0x0], $0xffff  }
0x60: {  	[tilespmem:v1+s31+$0x0] =	vst.idx.add.f32.msk $0xffff, v61  }
0x61: {  	v63 =	vld.idx.msk [tilespmem:v9+s24+$0x0], $0xffff  }
0x62: {  	[tilespmem:v8+s2+$0x0] =	vst.idx.add.f32.msk $0xffff, v4  }
0x63: {  	v4 =	vld.idx.msk [tilespmem:v5+s24+$0x0], $0xffff  }
0x64: {  	v8 =	vld.idx.msk [tilespmem:v7+s24+$0x0], $0xffff;
	_ =	sdelay $0x1  }
0x65: {  	[tilespmem:v10+s2+$0x0] =	vst.idx.add.f32.msk $0xffff, v11  }
0x66: {  	[tilespmem:v1+s0+$0x0] =	vst.idx.add.f32.msk $0xffff, v63  }
0x67: {  	[tilespmem:v3+s0+$0x0] =	vst.idx.add.f32.msk $0xffff, v4  }
0x68: {  	[tilespmem:v2+s0+$0x0] =	vst.idx.add.f32.msk $0xffff, v8  }
0x69: {  	v4 =	vld.idx.msk [tilespmem:v9+s25+$0x0], $0xffff  }
0x6a: {  	v6 =	vld.idx.msk [tilespmem:v5+s25+$0x0], $0xffff  }
0x6b: {  	s8 =	simm.s32 $0x0;
	s9 =	sadd.s32 $0x50, s11;
	v5 =	vld.idx.msk [tilespmem:v7+s25+$0x0], $0xffff  }
.LBB2_6:
0x6c: {  	v7 =	vld [tilespmem:s9+$0x20];
	s8 =	sadd.s32 $0x5, s8  }
0x6d: {  	v8 =	vld [tilespmem:s9+$0xFFFFFFF0];
	p1 =	slt.u32 s8, $0xF5  }
0x6e: {  	v9 =	vld [tilespmem:s9+$0x0]  }
0x6f: {  	v10 =	vld [tilespmem:s9+$0x10]  }
0x70: {  	v11 =	vld [tilespmem:s9+$0xFFFFFFE0]  }
0x71: {  	s7 =	sadd.s32 $0x50, s7;
	[tilespmem:v3+s2+$0x0] =	vst.idx.add.f32.msk $0xffff, v6  }
0x72: {  	v6 =	vld [tilespmem:s7+$0x20]  }
0x73: {  	v12 =	vld [tilespmem:s7+$0xFFFFFFE0]  }
0x74: {  	v13 =	vld.idx.msk [tilespmem:v7+s3+$0x0], $0xffff  }
0x75: {  	v14 =	vld.idx.msk [tilespmem:v8+s3+$0x0], $0xffff  }
0x76: {  	v15 =	vld.idx.msk [tilespmem:v9+s3+$0x0], $0xffff  }
0x77: {  	v16 =	vld.idx.msk [tilespmem:v10+s3+$0x0], $0xffff  }
0x78: {  	v17 =	vld.idx.msk [tilespmem:v11+s3+$0x0], $0xffff  }
0x79: {  	v3 =	vld [tilespmem:s7+$0xFFFFFFF0]  }
0x7a: {  	[tilespmem:v6+s30+$0x0] =	vst.idx.add.f32.msk $0xffff, v13  }
0x7b: {  	v13 =	vld.idx.msk [tilespmem:v7+s23+$0x0], $0xffff  }
0x7c: {  	v18 =	vld [tilespmem:s7+$0x0]  }
0x7d: {  	v19 =	vld [tilespmem:s7+$0x10]  }
0x7e: {  	[tilespmem:v12+s30+$0x0] =	vst.idx.add.f32.msk $0xffff, v17  }
0x7f: {  	v17 =	vld.idx.msk [tilespmem:v11+s23+$0x0], $0xffff  }
0x80: {  	[tilespmem:v2+s2+$0x0] =	vst.idx.add.f32.msk $0xffff, v5  }
0x81: {  	[tilespmem:v6+s31+$0x0] =	vst.idx.add.f32.msk $0xffff, v13;
	v2 =	vmov v18  }
0x82: {  	v5 =	vld.idx.msk [tilespmem:v7+s24+$0x0], $0xffff  }
0x83: {  	[tilespmem:v3+s30+$0x0] =	vst.idx.add.f32.msk $0xffff, v14  }
0x84: {  	[tilespmem:v18+s30+$0x0] =	vst.idx.add.f32.msk $0xffff, v15  }
0x85: {  	[tilespmem:v19+s30+$0x0] =	vst.idx.add.f32.msk $0xffff, v16  }
0x86: {  	v13 =	vld.idx.msk [tilespmem:v8+s23+$0x0], $0xffff  }
0x87: {  	v14 =	vld.idx.msk [tilespmem:v9+s23+$0x0], $0xffff  }
0x88: {  	[tilespmem:v6+s0+$0x0] =	vst.idx.add.f32.msk $0xffff, v5  }
0x89: {  	v5 =	vld.idx.msk [tilespmem:v7+s25+$0x0], $0xffff  }
0x8a: {  	v7 =	vld.idx.msk [tilespmem:v10+s23+$0x0], $0xffff  }
0x8b: {  	[tilespmem:v12+s31+$0x0] =	vst.idx.add.f32.msk $0xffff, v17  }
0x8c: {  	[tilespmem:v3+s31+$0x0] =	vst.idx.add.f32.msk $0xffff, v13  }
0x8d: {  	[tilespmem:v18+s31+$0x0] =	vst.idx.add.f32.msk $0xffff, v14  }
0x8e: {  	v13 =	vld.idx.msk [tilespmem:v11+s24+$0x0], $0xffff  }
0x8f: {  	[tilespmem:v6+s2+$0x0] =	vst.idx.add.f32.msk $0xffff, v5  }
0x90: {  	[tilespmem:v19+s31+$0x0] =	vst.idx.add.f32.msk $0xffff, v7  }
0x91: {  	v5 =	vld.idx.msk [tilespmem:v8+s24+$0x0], $0xffff  }
0x92: {  	v6 =	vld.idx.msk [tilespmem:v9+s24+$0x0], $0xffff  }
0x93: {  	v7 =	vld.idx.msk [tilespmem:v10+s24+$0x0], $0xffff  }
0x94: {  	[tilespmem:v12+s0+$0x0] =	vst.idx.add.f32.msk $0xffff, v13  }
0x95: {  	v11 =	vld.idx.msk [tilespmem:v11+s25+$0x0], $0xffff  }
0x96: {  	[tilespmem:v1+s2+$0x0] =	vst.idx.add.f32.msk $0xffff, v4;
	v1 =	vmov v19  }
0x97: {  	[tilespmem:v3+s0+$0x0] =	vst.idx.add.f32.msk $0xffff, v5  }
0x98: {  	[tilespmem:v18+s0+$0x0] =	vst.idx.add.f32.msk $0xffff, v6  }
.Ltmp1:
0x99: {  	[tilespmem:v19+s0+$0x0] =	vst.idx.add.f32.msk $0xffff, v7;
	(pc) =	sbr.rel @p1 .LBB2_6-.Ltmp1, $4  }
0x9a: {  	v6 =	vld.idx.msk [tilespmem:v8+s25+$0x0], $0xffff  }
0x9b: {  	v5 =	vld.idx.msk [tilespmem:v9+s25+$0x0], $0xffff  }
0x9c: {  	v4 =	vld.idx.msk [tilespmem:v10+s25+$0x0], $0xffff  }
0x9d: {  	s9 =	sadd.s32 $0x50, s9;
	[tilespmem:v12+s2+$0x0] =	vst.idx.add.f32.msk $0xffff, v11  }
0x9e: {  	_ =	sdelay $0x3  }
0x9f: {  	[tilespmem:v3+s2+$0x0] =	vst.idx.add.f32.msk $0xffff, v6  }
0xa0: {  	[tilespmem:v2+s2+$0x0] =	vst.idx.add.f32.msk $0xffff, v5  }
0xa1: {  	[tilespmem:v1+s2+$0x0] =	vst.idx.add.f32.msk $0xffff, v4  }
0xa2: {  	p1 =	seq.s32 s6, $0x50  }
.Ltmp2:
0xa3: {  	_ = 	snop;
	(pc) =	sbr.rel @!p1 .LBB2_5-.Ltmp2, $2  }
0xa4: {  	_ =	sdelay $0x2  }
0xa5: {  	p0 =	por !p0, !p0  }
0xa6: {  	s6 =	simm.s32 $0x0;
	s7 =	rddreg [dreg:$0x7]  }
0xa7: {  	[hbm4b:s7+s6] =	stream.linear.scatter [tilespmem:s30], [sflag:$0x2], $0x2780, $0x38;
	[tilespmem:$0x17B00] =	vst v63  }
0xa8: {  	_ =	swait.ge [sflag:s22], $0x2780  }
0xa9: {  	[sflag:s22] =	ssyncset.done $0x0  }
0xaa: {  	s10 =	rddreg [dreg:$0x8];
	[sflag:s22] =	ssyncadd.s32 $0xFFFFD880  }
0xab: {  	[hbm4b:s10+s6] =	stream.linear.scatter [tilespmem:s31], [sflag:$0x2], $0x2780, $0x38;
	[tilespmem:$0x17B00] =	vst v63  }
0xac: {  	_ =	swait.ge [sflag:s22], $0x2780  }
0xad: {  	[sflag:s22] =	ssyncset.done $0x0  }
0xae: {  	s11 =	rddreg [dreg:$0x9];
	[sflag:s22] =	ssyncadd.s32 $0xFFFFD880  }
0xaf: {  	[hbm4b:s11+s6] =	stream.linear.scatter [tilespmem:s0], [sflag:$0x2], $0x2780, $0x38;
	[tilespmem:$0x17B00] =	vst v63  }
0xb0: {  	_ =	swait.ge [sflag:s22], $0x2780  }
0xb1: {  	[sflag:s22] =	ssyncset.done $0x0  }
0xb2: {  	s12 =	rddreg [dreg:$0xa];
	[sflag:s22] =	ssyncadd.s32 $0xFFFFD880  }
0xb3: {  	[hbm4b:s12+s6] =	stream.linear.scatter [tilespmem:s2], [sflag:$0x2], $0x2780, $0x38;
	[tilespmem:$0x17B00] =	vst v63  }
0xb4: {  	_ =	swait.ge [sflag:s22], $0x2780  }
0xb5: {  	[sflag:s22] =	ssyncset.done $0x0  }
0xb6: {  	[sflag:s22] =	ssyncadd.s32 $0xFFFFD880  }
0xb7: {  	[tilespmem:s6], [sflag:$0x2] =	stream.linear.gather [hbm4b:s13+s6], $0x2780, $0x38;
	[tilespmem:$0x17B00] =	vst v63  }
0xb8: {  	_ =	swait.ge [sflag:s22], $0x2780  }
0xb9: {  	[sflag:s22] =	ssyncset.done $0x0  }
0xba: {  	[sflag:s22] =	ssyncadd.s32 $0xFFFFD880  }
0xbb: {  	[tilespmem:s23], [sflag:$0x2] =	stream.linear.gather [hbm4b:s14+s6], $0x2780, $0x38;
	[tilespmem:$0x17B00] =	vst v63  }
0xbc: {  	_ =	swait.ge [sflag:s22], $0x2780  }
0xbd: {  	[sflag:s22] =	ssyncset.done $0x0  }
0xbe: {  	[sflag:s22] =	ssyncadd.s32 $0xFFFFD880  }
0xbf: {  	[tilespmem:s24], [sflag:$0x2] =	stream.linear.gather [hbm4b:s15+s6], $0x2780, $0x38;
	[tilespmem:$0x17B00] =	vst v63  }
0xc0: {  	_ =	swait.ge [sflag:s22], $0x2780  }
0xc1: {  	[sflag:s22] =	ssyncset.done $0x0  }
0xc2: {  	[sflag:s22] =	ssyncadd.s32 $0xFFFFD880  }
0xc3: {  	[tilespmem:s25], [sflag:$0x2] =	stream.linear.gather [hbm4b:s16+s6], $0x2780, $0x38;
	[tilespmem:$0x17B00] =	vst v63  }
0xc4: {  	_ =	swait.ge [sflag:s22], $0x2780  }
0xc5: {  	[sflag:s22] =	ssyncset.done $0x0  }
0xc6: {  	s7 =	simm.s32 $0x40;
	s6 =	simm.s32 $0x0;
	[sflag:s22] =	ssyncadd.s32 $0xFFFFD880  }
.LBB2_9:
0xc7: {  	p0 =	sne.s32 s7, $0x9C00;
	[tilespmem:s6+$0x11480] =	vst v0;
	s8 =	smov.u32 s7;
	s7 =	sadd.s32 $0x40, s7  }
.Ltmp3:
0xc8: {  	[tilespmem:s6+$0xED00] =	vst v0;
	(pc) =	sbr.rel @p0 .LBB2_9-.Ltmp3, $3  }
0xc9: {  	[tilespmem:s6+$0x9E00] =	vst v0  }
0xca: {  	[tilespmem:s6+$0xC580] =	vst v0;
	_ =	sdelay $0x1  }
0xcb: {  	s6 =	sshra.s32 s8, $0x2  }
0xcc: {  	[tilespmem:s6+$0x11480] =	vst v0  }
0xcd: {  	[tilespmem:s6+$0xED00] =	vst v0  }
0xce: {  	[tilespmem:s6+$0x9E00] =	vst v0  }
0xcf: {  	[tilespmem:s6+$0xC580] =	vst v0;
	s6 =	simm.s32 $0x0  }
0xd0: {  	[tilespmem:s26], [sflag:$0x1] =	stream.linear.gather [hbm4b:s1+s6], $0xFA0, $0x38;
	[tilespmem:$0x17B00] =	vst v63  }
0xd1: {  	p0 =	por $0x0, $0x0  }
0xd2: {  	[tilespmem:s28], [sflag:$0x1] =	stream.linear.gather [hbm4b:s4+s6], $0xFA0, $0x38;
	[tilespmem:$0x17B00] =	vst v63  }
.LBB2_12:
0xd3: {  	s7 =	simm.s32 $0x1  }
0xd4: {  	_ =	swait.ge [sflag:s29], $0xFA0;
	s8 =	sand.u32 $0x1, s6;
	p1 =	seq.s32 s6, $0x4F  }
0xd5: {  	s6 =	sadd.s32 $0x1, s6;
	s7 =	simm.s32 @!p0 $0x0;
	[sflag:s29] =	ssyncset.done $0x0  }
0xd6: {  	s8 =	sxor.u32 @!p1 $0x1, s8;
	[sflag:s29] =	ssyncadd.s32 $0xFFFFF060;
	s7 =	smul.u32 $0x3E80, s7  }
0xd7: {  	s9 =	sshll.u32 @!p1 s6, $0x9;
	s8 =	smul.u32 @!p1 $0xFA0, s8;
	_ =	swait.ge [sflag:s29], $0xFA0  }
0xd8: {  	s12 =	simm.s32 @!p1 $0x0;
	s11 =	sadd.s32 @!p1 s1, s9;
	[sflag:s29] =	ssyncset.done $0x0  }
0xd9: {  	s7 =	sshrl.u32 s7, $0x2;
	s10 =	sadd.s32 @!p1 $0x13C00, s8;
	[sflag:s29] =	ssyncadd.s32 $0xFFFFF060  }
0xda: {  	[tilespmem:s10], [sflag:$0x1] =	stream.linear.gather @!p1 [hbm4b:s11+s12], $0xFA0, $0x38;
	[tilespmem:$0x17B00] =	vst v63  }
0xdb: {  	s9 =	sadd.s32 @!p1 s4, s9;
	s8 =	sadd.s32 @!p1 $0x15B80, s8;
	s11 =	sadd.s32 $0x13C20, s7  }
0xdc: {  	[tilespmem:s8], [sflag:$0x1] =	stream.linear.gather @!p1 [hbm4b:s9+s12], $0xFA0, $0x38;
	[tilespmem:$0x17B00] =	vst v63  }
0xdd: {  	v4 =	vld [tilespmem:s11+$0x20]  }
0xde: {  	v5 =	vld [tilespmem:s11+$0xFFFFFFF0]  }
0xdf: {  	v7 =	vld [tilespmem:s11+$0x0]  }
0xe0: {  	s7 =	sadd.s32 $0x15BA0, s7;
	v6 =	vld [tilespmem:s11+$0xFFFFFFE0]  }
0xe1: {  	v8 =	vld [tilespmem:s7+$0x20]  }
0xe2: {  	v9 =	vld [tilespmem:s11+$0x10]  }
0xe3: {  	v10 =	vld [tilespmem:s7+$0xFFFFFFE0]  }
0xe4: {  	v3 =	vld [tilespmem:s7+$0xFFFFFFF0]  }
0xe5: {  	v2 =	vld [tilespmem:s7+$0x0]  }
0xe6: {  	v1 =	vld.idx.msk [tilespmem:v4+s3+$0x0], $0xffff  }
0xe7: {  	v11 =	vld.idx.msk [tilespmem:v5+s3+$0x0], $0xffff  }
0xe8: {  	v13 =	vld.idx.msk [tilespmem:v6+s3+$0x0], $0xffff  }
0xe9: {  	v12 =	vld.idx.msk [tilespmem:v7+s3+$0x0], $0xffff  }
0xea: {  	v15 =	vld.idx.msk [tilespmem:v9+s3+$0x0], $0xffff  }
0xeb: {  	[tilespmem:v8+s30+$0x0] =	vst.idx.add.f32.msk $0xffff, v1  }
0xec: {  	v1 =	vld [tilespmem:s7+$0x10]  }
0xed: {  	[tilespmem:v10+s30+$0x0] =	vst.idx.add.f32.msk $0xffff, v13  }
0xee: {  	[tilespmem:v3+s30+$0x0] =	vst.idx.add.f32.msk $0xffff, v11  }
0xef: {  	v14 =	vld.idx.msk [tilespmem:v4+s23+$0x0], $0xffff  }
0xf0: {  	v13 =	vld.idx.msk [tilespmem:v6+s23+$0x0], $0xffff  }
0xf1: {  	v11 =	vld.idx.msk [tilespmem:v5+s23+$0x0], $0xffff  }
0xf2: {  	[tilespmem:v2+s30+$0x0] =	vst.idx.add.f32.msk $0xffff, v12  }
0xf3: {  	v12 =	vld.idx.msk [tilespmem:v7+s23+$0x0], $0xffff  }
0xf4: {  	[tilespmem:v8+s31+$0x0] =	vst.idx.add.f32.msk $0xffff, v14  }
0xf5: {  	[tilespmem:v10+s31+$0x0] =	vst.idx.add.f32.msk $0xffff, v13  }
0xf6: {  	[tilespmem:v3+s31+$0x0] =	vst.idx.add.f32.msk $0xffff, v11  }
0xf7: {  	v14 =	vld.idx.msk [tilespmem:v4+s24+$0x0], $0xffff  }
0xf8: {  	[tilespmem:v2+s31+$0x0] =	vst.idx.add.f32.msk $0xffff, v12  }
0xf9: {  	v62 =	vld.idx.msk [tilespmem:v6+s24+$0x0], $0xffff  }
0xfa: {  	[tilespmem:v1+s30+$0x0] =	vst.idx.add.f32.msk $0xffff, v15  }
0xfb: {  	v61 =	vld.idx.msk [tilespmem:v9+s23+$0x0], $0xffff  }
0xfc: {  	[tilespmem:v8+s0+$0x0] =	vst.idx.add.f32.msk $0xffff, v14  }
0xfd: {  	v4 =	vld.idx.msk [tilespmem:v4+s25+$0x0], $0xffff  }
0xfe: {  	[tilespmem:v10+s0+$0x0] =	vst.idx.add.f32.msk $0xffff, v62  }
0xff: {  	v11 =	vld.idx.msk [tilespmem:v6+s25+$0x0], $0xffff  }
0x100: {  	[tilespmem:v1+s31+$0x0] =	vst.idx.add.f32.msk $0xffff, v61  }
0x101: {  	v63 =	vld.idx.msk [tilespmem:v9+s24+$0x0], $0xffff  }
0x102: {  	[tilespmem:v8+s2+$0x0] =	vst.idx.add.f32.msk $0xffff, v4  }
0x103: {  	v4 =	vld.idx.msk [tilespmem:v5+s24+$0x0], $0xffff  }
0x104: {  	v8 =	vld.idx.msk [tilespmem:v7+s24+$0x0], $0xffff;
	_ =	sdelay $0x1  }
0x105: {  	[tilespmem:v10+s2+$0x0] =	vst.idx.add.f32.msk $0xffff, v11  }
0x106: {  	[tilespmem:v1+s0+$0x0] =	vst.idx.add.f32.msk $0xffff, v63  }
0x107: {  	[tilespmem:v3+s0+$0x0] =	vst.idx.add.f32.msk $0xffff, v4  }
0x108: {  	[tilespmem:v2+s0+$0x0] =	vst.idx.add.f32.msk $0xffff, v8  }
0x109: {  	v4 =	vld.idx.msk [tilespmem:v9+s25+$0x0], $0xffff  }
0x10a: {  	v6 =	vld.idx.msk [tilespmem:v5+s25+$0x0], $0xffff  }
0x10b: {  	s8 =	simm.s32 $0x0;
	s9 =	sadd.s32 $0x50, s11;
	v5 =	vld.idx.msk [tilespmem:v7+s25+$0x0], $0xffff  }
.LBB2_13:
0x10c: {  	v7 =	vld [tilespmem:s9+$0x20];
	s8 =	sadd.s32 $0x5, s8  }
0x10d: {  	v8 =	vld [tilespmem:s9+$0xFFFFFFF0];
	p1 =	slt.u32 s8, $0xF5  }
0x10e: {  	v9 =	vld [tilespmem:s9+$0x0]  }
0x10f: {  	v10 =	vld [tilespmem:s9+$0x10]  }
0x110: {  	v11 =	vld [tilespmem:s9+$0xFFFFFFE0]  }
0x111: {  	s7 =	sadd.s32 $0x50, s7;
	[tilespmem:v3+s2+$0x0] =	vst.idx.add.f32.msk $0xffff, v6  }
0x112: {  	v6 =	vld [tilespmem:s7+$0x20]  }
0x113: {  	v12 =	vld [tilespmem:s7+$0xFFFFFFE0]  }
0x114: {  	v13 =	vld.idx.msk [tilespmem:v7+s3+$0x0], $0xffff  }
0x115: {  	v14 =	vld.idx.msk [tilespmem:v8+s3+$0x0], $0xffff  }
0x116: {  	v15 =	vld.idx.msk [tilespmem:v9+s3+$0x0], $0xffff  }
0x117: {  	v16 =	vld.idx.msk [tilespmem:v10+s3+$0x0], $0xffff  }
0x118: {  	v17 =	vld.idx.msk [tilespmem:v11+s3+$0x0], $0xffff  }
0x119: {  	v3 =	vld [tilespmem:s7+$0xFFFFFFF0]  }
0x11a: {  	[tilespmem:v6+s30+$0x0] =	vst.idx.add.f32.msk $0xffff, v13  }
0x11b: {  	v13 =	vld.idx.msk [tilespmem:v7+s23+$0x0], $0xffff  }
0x11c: {  	v18 =	vld [tilespmem:s7+$0x0]  }
0x11d: {  	v19 =	vld [tilespmem:s7+$0x10]  }
0x11e: {  	[tilespmem:v12+s30+$0x0] =	vst.idx.add.f32.msk $0xffff, v17  }
0x11f: {  	v17 =	vld.idx.msk [tilespmem:v11+s23+$0x0], $0xffff  }
0x120: {  	[tilespmem:v2+s2+$0x0] =	vst.idx.add.f32.msk $0xffff, v5  }
0x121: {  	[tilespmem:v6+s31+$0x0] =	vst.idx.add.f32.msk $0xffff, v13;
	v2 =	vmov v18  }
0x122: {  	v5 =	vld.idx.msk [tilespmem:v7+s24+$0x0], $0xffff  }
0x123: {  	[tilespmem:v3+s30+$0x0] =	vst.idx.add.f32.msk $0xffff, v14  }
0x124: {  	[tilespmem:v18+s30+$0x0] =	vst.idx.add.f32.msk $0xffff, v15  }
0x125: {  	[tilespmem:v19+s30+$0x0] =	vst.idx.add.f32.msk $0xffff, v16  }
0x126: {  	v13 =	vld.idx.msk [tilespmem:v8+s23+$0x0], $0xffff  }
0x127: {  	v14 =	vld.idx.msk [tilespmem:v9+s23+$0x0], $0xffff  }
0x128: {  	[tilespmem:v6+s0+$0x0] =	vst.idx.add.f32.msk $0xffff, v5  }
0x129: {  	v5 =	vld.idx.msk [tilespmem:v7+s25+$0x0], $0xffff  }
0x12a: {  	v7 =	vld.idx.msk [tilespmem:v10+s23+$0x0], $0xffff  }
0x12b: {  	[tilespmem:v12+s31+$0x0] =	vst.idx.add.f32.msk $0xffff, v17  }
0x12c: {  	[tilespmem:v3+s31+$0x0] =	vst.idx.add.f32.msk $0xffff, v13  }
0x12d: {  	[tilespmem:v18+s31+$0x0] =	vst.idx.add.f32.msk $0xffff, v14  }
0x12e: {  	v13 =	vld.idx.msk [tilespmem:v11+s24+$0x0], $0xffff  }
0x12f: {  	[tilespmem:v6+s2+$0x0] =	vst.idx.add.f32.msk $0xffff, v5  }
0x130: {  	[tilespmem:v19+s31+$0x0] =	vst.idx.add.f32.msk $0xffff, v7  }
0x131: {  	v5 =	vld.idx.msk [tilespmem:v8+s24+$0x0], $0xffff  }
0x132: {  	v6 =	vld.idx.msk [tilespmem:v9+s24+$0x0], $0xffff  }
0x133: {  	v7 =	vld.idx.msk [tilespmem:v10+s24+$0x0], $0xffff  }
0x134: {  	[tilespmem:v12+s0+$0x0] =	vst.idx.add.f32.msk $0xffff, v13  }
0x135: {  	v11 =	vld.idx.msk [tilespmem:v11+s25+$0x0], $0xffff  }
0x136: {  	[tilespmem:v1+s2+$0x0] =	vst.idx.add.f32.msk $0xffff, v4;
	v1 =	vmov v19  }
0x137: {  	[tilespmem:v3+s0+$0x0] =	vst.idx.add.f32.msk $0xffff, v5  }
0x138: {  	[tilespmem:v18+s0+$0x0] =	vst.idx.add.f32.msk $0xffff, v6  }
.Ltmp4:
0x139: {  	[tilespmem:v19+s0+$0x0] =	vst.idx.add.f32.msk $0xffff, v7;
	(pc) =	sbr.rel @p1 .LBB2_13-.Ltmp4, $4  }
0x13a: {  	v6 =	vld.idx.msk [tilespmem:v8+s25+$0x0], $0xffff  }
0x13b: {  	v5 =	vld.idx.msk [tilespmem:v9+s25+$0x0], $0xffff  }
0x13c: {  	v4 =	vld.idx.msk [tilespmem:v10+s25+$0x0], $0xffff  }
0x13d: {  	s9 =	sadd.s32 $0x50, s9;
	[tilespmem:v12+s2+$0x0] =	vst.idx.add.f32.msk $0xffff, v11  }
0x13e: {  	_ =	sdelay $0x3  }
0x13f: {  	[tilespmem:v3+s2+$0x0] =	vst.idx.add.f32.msk $0xffff, v6  }
0x140: {  	[tilespmem:v2+s2+$0x0] =	vst.idx.add.f32.msk $0xffff, v5  }
0x141: {  	[tilespmem:v1+s2+$0x0] =	vst.idx.add.f32.msk $0xffff, v4  }
0x142: {  	p1 =	seq.s32 s6, $0x50  }
.Ltmp5:
0x143: {  	_ = 	snop;
	(pc) =	sbr.rel @!p1 .LBB2_12-.Ltmp5, $2  }
0x144: {  	_ =	sdelay $0x2  }
0x145: {  	p0 =	por !p0, !p0  }
0x146: {  	[hbm4b:s17+s3] =	stream.linear.scatter [tilespmem:s30], [sflag:$0x2], $0x2780, $0x38;
	[tilespmem:$0x17B00] =	vst v63  }
0x147: {  	_ =	swait.ge [sflag:s22], $0x2780  }
0x148: {  	[sflag:s22] =	ssyncset.done $0x0  }
0x149: {  	[sflag:s22] =	ssyncadd.s32 $0xFFFFD880  }
0x14a: {  	[hbm4b:s18+s3] =	stream.linear.scatter [tilespmem:s31], [sflag:$0x2], $0x2780, $0x38;
	[tilespmem:$0x17B00] =	vst v63  }
0x14b: {  	_ =	swait.ge [sflag:s22], $0x2780  }
0x14c: {  	[sflag:s22] =	ssyncset.done $0x0  }
0x14d: {  	[sflag:s22] =	ssyncadd.s32 $0xFFFFD880  }
0x14e: {  	[hbm4b:s19+s3] =	stream.linear.scatter [tilespmem:s0], [sflag:$0x2], $0x2780, $0x38;
	[tilespmem:$0x17B00] =	vst v63  }
0x14f: {  	s5 =	sadd.s32 $0x1, s5;
	_ =	swait.ge [sflag:s22], $0x2780  }
0x150: {  	p0 =	sne.s32 s5, s21;
	[sflag:s22] =	ssyncset.done $0x0  }
.Ltmp6:
0x151: {  	[sflag:s22] =	ssyncadd.s32 $0xFFFFD880;
	(pc) =	sbr.rel @p0 .LBB2_1-.Ltmp6, $4  }
0x152: {  	[hbm4b:s20+s3] =	stream.linear.scatter [tilespmem:s2], [sflag:$0x2], $0x2780, $0x38;
	[tilespmem:$0x17B00] =	vst v63  }
0x153: {  	_ =	swait.ge [sflag:s22], $0x2780  }
0x154: {  	[sflag:s22] =	ssyncset.done $0x0  }
0x155: {  	[sflag:s22] =	ssyncadd.s32 $0xFFFFD880  }
0x156: {  	_ =	sfence.sel $0x180000  }
0x157: {  	[bflag:$0x0] =	sbarrier.arrive $0xFFFF  }
0x158: {  	_ =	strace $0x9000004A  }
0x159: {  	s0 =	stileid.u32;
	[bflag:$0x2] =	sbarrier.arrive $0xFFFF  }
0x15a: {  	p0 =	sne.s32 s0, $0x0;
	s0 =	rddreg [dreg:$0x2]  }
0x15b: {  	s0 =	sadd.s32 @!p0 $0x100000, s0  }
0x15c: {  	[sflag:s0] =	ssyncadd.tile.s32 @!p0 $0x1;
	_ =	shalt  }
.Lfunc_end2:
_tile_overlayer_lowered:
.L_overlay_start_2:
0x15d: {  	(tag) =	ssettag $0x2  }
0x15e: {  	s0 =	rddreg [dreg:$0x0];
	s2 =	stileid.u32  }
0x15f: {  	s1 =	rddreg [dreg:$0x1];
	p0 =	sne.s32 s2, $0x0  }
0x160: {  	s3 =	rddreg [dreg:$0x2];
	[bflag:$0x3] =	sbarrier.arrive $0xFFFF;
	s2 =	simm.s32 @!p0 $0x1C02  }
0x161: {  	[timem:s3], [sflag:s2] =	dma.local @!p0 [hbm:s0], s1  }
0x162: {  	s0 =	simm.s32 @!p0 $0x2  }
0x163: {  	_ =	swait.ge @!p0 [sflag:s0], s1  }
0x164: {  	s1 =	ssub.s32 @!p0 $0x0, s1;
	[sflag:s0] =	ssyncset.done @!p0 $0x0  }
0x165: {  	[sflag:s0] =	ssyncadd.s32 @!p0 s1  }
0x166: {  	[bflag:$0x3] =	sbarrier.arrive $0xFFFF  }
0x167: {  	_ =	shalt  }

// kernel: kernel.5.cloned.1.call-start
scs
__scs_entry_jumppad:
0x0: {  	(pc) =	sbr.rel $0x88, $3  }
0x1: {  	(tag) =	ssettag $0x0;
	lr =	simm.s32 $0x1  }
0x2: {  	[smem:$0x3F95] =	sst lr;
	_ =	strace $0xD0000000  }
0x3: {  	_ = 	snop  }
0x4: {  	_ = 	snop  }
0x5: {  	_ = 	snop  }
0x6: {  	_ = 	snop  }
0x7: {  	_ = 	snop  }
__scs_overlays_trampoline_lowered:
0x8: {  	[smem:$0x3FA4] =	sst s0  }
0x9: {  	[smem:$0x3FA5] =	sst s1  }
0xa: {  	[smem:$0x3FA6] =	sst s2  }
0xb: {  	[smem:$0x3FA7] =	sst s3  }
0xc: {  	[smem:$0x3FA8] =	sst s4  }
0xd: {  	[smem:$0x3FA9] =	sst s5  }
0xe: {  	[smem:$0x3FAA] =	sst s6  }
0xf: {  	[smem:$0x3FAB] =	sst s7  }
0x10: {  	[smem:$0x3FAC] =	sst s8  }
0x11: {  	[smem:$0x3FAD] =	sst s9;
	s0 =	simm.s32 @!p0 $0x0  }
0x12: {  	s1 =	sld [smem:$0x3F93];
	s0 =	simm.s32 @p0 $0x1  }
0x13: {  	[smem:$0x3FAE] =	sst s0;
	s0 =	simm.s32 @!p1 $0x0  }
0x14: {  	s2 =	sld [smem:$0x3F92];
	s0 =	simm.s32 @p1 $0x1  }
0x15: {  	[smem:$0x3FAF] =	sst s0;
	s0 =	simm.s32 @!p2 $0x0  }
0x16: {  	s3 =	sld [smem:$0x3FDB];
	s0 =	simm.s32 @p2 $0x1  }
0x17: {  	s4 =	simm.s32 $0x1BF5;
	[smem:$0x3FB1] =	sst s0  }
0x18: {  	s0 =	sld [smem:$0x3F94];
	_ =	swait.ge [sflag:s4], $0x0  }
0x19: {  	s7 =	sld [smem:$0x3F95]  }
0x1a: {  	s8 =	sadd.s32 $0xFFFFE003, lr  }
0x1b: {  	s9 =	sadd.s32 $0xFFFFFEF7, lr;
	s5 =	simm.s32 $0xFFFFFFFF;
	p2 =	slt.u32 s8, $0xFFFFF086  }
0x1c: {  	p1 =	slt.u32 s9, $0xF7A;
	s5 =	simm.s32 @!p2 $0x0  }
0x1d: {  	s5 =	simm.s32 @p1 $0x1;
	p0 =	seq.s32 s7, s2  }
0x1e: {  	s7 =	smul.u32 @!p0 $0xF7A, s2;
	p2 =	seq.s32 @!p0 s5, $0x0  }
0x1f: {  	s9 =	smul.u32 $0xF7A, s1;
	s8 =	simm.s32 @!p0 $0x1BF5;
	p2 =	por !p2, p0  }
0x20: {  	[sflag:s8] =	ssyncset.s32 @!p0 $0xFFFFF086;
	s6 =	sadd.s32 @!p0 s3, s7;
	s7 =	simm.s32 @!p0 $0x108  }
0x21: {  	s3 =	sadd.s32 s3, s9;
	s6 =	sadd.s32 @!p0 $0x88, s6;
	s7 =	simm.s32 @p2 $0x1082  }
0x22: {  	[simem:s7], [sflag:s8] =	dma.local @!p0 [hbm:s6], $0xF7A  }
0x23: {  	s9 =	sor.u32 $0xD0000000, s2;
	s6 =	simm.s32 $0x108;
	_ =	swait.ge @!p0 [sflag:s8], $0x0  }
0x24: {  	s3 =	sadd.s32 $0x88, s3;
	s6 =	simm.s32 @!p1 $0x1082;
	[sflag:s4] =	ssyncset.s32 $0xFFFFF086  }
0x25: {  	[simem:s6], [sflag:s4] =	dma.local [hbm:s3], $0xF7A  }
0x26: {  	[smem:$0x3F95] =	sst s1;
	(tag) =	ssettag s2;
	_ =	strace s9  }
0x27: {  	s1 =	sld [smem:$0x3FA5]  }
0x28: {  	s2 =	sld [smem:$0x3FA6]  }
0x29: {  	s4 =	sld [smem:$0x3FA8]  }
0x2a: {  	p0 =	seq.s32 s5, $0x0;
	s5 =	sld [smem:$0x3FA9]  }
0x2b: {  	s6 =	sld [smem:$0x3FAA]  }
0x2c: {  	s7 =	sld [smem:$0x3FAB]  }
0x2d: {  	s3 =	simm.s32 $0x108;
	s8 =	sld [smem:$0x3FAC]  }
0x2e: {  	s3 =	simm.s32 @!p0 $0x1082;
	s9 =	sld [smem:$0x3FAD]  }
0x2f: {  	lr =	sadd.s32 s0, s3;
	s0 =	sld [smem:$0x3FA4]  }
0x30: {  	s3 =	sld [smem:$0x3FA7]  }
0x31: {  	[smem:$0x3FB0] =	sst s10  }
0x32: {  	s10 =	sld [smem:$0x3FAE];
	_ =	sdelay $0x3  }
0x33: {  	p0 =	seq.s32 s10, $0x1;
	s10 =	sld [smem:$0x3FB0];
	_ =	sdelay $0x3  }
0x34: {  	[smem:$0x3FB0] =	sst s10  }
0x35: {  	s10 =	sld [smem:$0x3FAF];
	_ =	sdelay $0x3  }
0x36: {  	p1 =	seq.s32 s10, $0x1;
	s10 =	sld [smem:$0x3FB0];
	_ =	sdelay $0x3  }
0x37: {  	[smem:$0x3FB0] =	sst s10  }
0x38: {  	s10 =	sld [smem:$0x3FB1]  }
0x39: {  	_ = 	snop;
	(pc) =	sbr.ind lr, $3  }
0x3a: {  	_ = 	snop  }
0x3b: {  	_ = 	snop  }
0x3c: {  	p2 =	seq.s32 s10, $0x1;
	s10 =	sld [smem:$0x3FB0]  }
0x3d: {  	_ =	shalt  }
0x3e: {  	_ =	shalt  }
0x3f: {  	_ =	shalt  }
0x40: {  	_ =	shalt  }
0x41: {  	_ =	shalt  }
0x42: {  	_ =	shalt  }
0x43: {  	_ =	shalt  }
0x44: {  	_ =	shalt  }
0x45: {  	_ =	shalt  }
0x46: {  	_ =	shalt  }
0x47: {  	_ =	shalt  }
0x48: {  	_ =	shalt  }
0x49: {  	_ =	shalt  }
0x4a: {  	_ =	shalt  }
0x4b: {  	_ =	shalt  }
0x4c: {  	_ =	shalt  }
0x4d: {  	_ =	shalt  }
0x4e: {  	_ =	shalt  }
0x4f: {  	_ =	shalt  }
0x50: {  	_ =	shalt  }
0x51: {  	_ =	shalt  }
0x52: {  	_ =	shalt  }
0x53: {  	_ =	shalt  }
0x54: {  	_ =	shalt  }
0x55: {  	_ =	shalt  }
0x56: {  	_ =	shalt  }
0x57: {  	_ =	shalt  }
0x58: {  	_ =	shalt  }
0x59: {  	_ =	shalt  }
0x5a: {  	_ =	shalt  }
0x5b: {  	_ =	shalt  }
0x5c: {  	_ =	shalt  }
0x5d: {  	_ =	shalt  }
0x5e: {  	_ =	shalt  }
0x5f: {  	_ =	shalt  }
0x60: {  	_ =	shalt  }
0x61: {  	_ =	shalt  }
0x62: {  	_ =	shalt  }
0x63: {  	_ =	shalt  }
0x64: {  	_ =	shalt  }
0x65: {  	_ =	shalt  }
0x66: {  	_ =	shalt  }
0x67: {  	_ =	shalt  }
0x68: {  	_ =	shalt  }
0x69: {  	_ =	shalt  }
0x6a: {  	_ =	shalt  }
0x6b: {  	_ =	shalt  }
0x6c: {  	_ =	shalt  }
0x6d: {  	_ =	shalt  }
0x6e: {  	_ =	shalt  }
0x6f: {  	_ =	shalt  }
0x70: {  	_ =	shalt  }
0x71: {  	_ =	shalt  }
0x72: {  	_ =	shalt  }
0x73: {  	_ =	shalt  }
0x74: {  	_ =	shalt  }
0x75: {  	_ =	shalt  }
0x76: {  	_ =	shalt  }
0x77: {  	_ =	shalt  }
0x78: {  	_ =	shalt  }
0x79: {  	_ =	shalt  }
0x7a: {  	_ =	shalt  }
0x7b: {  	_ =	shalt  }
0x7c: {  	_ =	shalt  }
0x7d: {  	_ =	shalt  }
0x7e: {  	_ =	shalt  }
0x7f: {  	_ =	shalt  }
0x80: {  	_ =	shalt  }
0x81: {  	_ =	shalt  }
0x82: {  	_ =	shalt  }
0x83: {  	_ =	shalt  }
0x84: {  	_ =	shalt  }
0x85: {  	_ =	shalt  }
0x86: {  	_ =	shalt  }
0x87: {  	_ =	shalt  }
.Lfunc_end0:
.L_simem_size_0:
called_computation.1_lowered:
.L_overlay_start_0:
0x88: {  	s2 =	sld [smem:$0x3FD9]  }
0x89: {  	s3 =	sld [smem:$0x3FFE];
	_ =	sdelay $0x1  }
0x8a: {  	s1 =	srdreg.scid  }
0x8b: {  	s0 =	sand.u32 $0x1, s1  }
0x8c: {  	s16 =	sshll.u32 s0, $0xA;
	s2 =	sadd.s32 s3, s2  }
0x8d: {  	s2 =	sadd.s32 s2, s16  }
0x8e: {  	[smem:$0x3FBC] =	sst s2  }
0x8f: {  	_ = 	snop  }
0x90: {  	(tm) =	ssettm $0x1  }
0x91: {  	s17 =	sld [smem:$0x3FFB];
	_ =	sdelay $0x3  }
0x92: {  	_ =	strace s17  }
0x93: {  	s2 =	sld [smem:$0x3FFC];
	_ =	sdelay $0x3  }
0x94: {  	_ =	strace s2  }
0x95: {  	s2 =	sld [smem:$0x3FFD];
	_ =	sdelay $0x3  }
0x96: {  	_ =	strace s2  }
0x97: {  	_ =	strace $0x8FFFFFFF  }
0x98: {  	s18 =	sld [smem:$0x3FDB];
	_ =	sdelay $0x1  }
0x99: {  	s19 =	simm.s32 $_scs_section_size  }
0x9a: {  	s4 =	simm.s32 $_size__tile_overlayer_lowered;
	s5 =	simm.s32 $_tile_overlayer_lowered  }
0x9b: {  	s22 =	simm.s32 $0x1BFF;
	s21 =	sshll.u32 s5, $0x1;
	s2 =	sadd.s32 s19, s18  }
0x9c: {  	s6 =	simm.s32 $0x0;
	s20 =	sshll.u32 s4, $0x1;
	s4 =	sadd.s32 s21, s2  }
0x9d: {  	[timem:s6], [sflag:s22] =	dma.local [hbm:s4], s20  }
0x9e: {  	_ =	swait.ge [sflag:s22], s20  }
0x9f: {  	s3 =	ssub.s32 $0x0, s20;
	[sflag:s22] =	ssyncset.done $0x0  }
0xa0: {  	[sflag:s22] =	ssyncadd.s32 s3;
	_ =	sdelay $0x1  }
0xa1: {  	s23 =	simm.s32 $0x1B8B  }
0xa2: {  	_ =	swait.ge [sflag:s23], $0x1  }
0xa3: {  	[sflag:s23] =	ssyncset.done $0x0  }
0xa4: {  	s25 =	simm.s32 $0x1B8E;
	s24 =	sld [smem:$0x3FFE];
	[sflag:s23] =	ssyncadd.s32 $0xFFFFFFFF  }
0xa5: {  	s26 =	simm.s32 $execute0_lowered;
	[smem:$0x3FD2] =	sst s25  }
0xa6: {  	s4 =	sshll.u32 s26, $0x1;
	_ =	strace $0x80000046;
	[dreg:$0x1] =	wrdreg $0xFFFFFFFF  }
0xa7: {  	s28 =	simm.s32 $_size_execute0_lowered;
	s2 =	sadd.s32 s2, s4;
	[dreg:$0x0] =	wrdreg $0x0  }
0xa8: {  	s4 =	sshll.u32 s28, $0x1;
	[dreg:$0x2] =	wrdreg s2  }
0xa9: {  	[dreg:$0x3] =	wrdreg s4  }
0xaa: {  	[dreg:$0x4] =	wrdreg $0xC0  }
0xab: {  	_ =	task [dreg:s6], $0x5FFFF  }
0xac: {  	[dreg:$0x1] =	wrdreg $0xFFFFFFFF  }
0xad: {  	[dreg:$0x0] =	wrdreg $0x60  }
0xae: {  	[dreg:$0x2] =	wrdreg s24  }
0xaf: {  	[dreg:$0x3] =	wrdreg $0x9  }
0xb0: {  	_ =	task.clear_ibuf [dreg:s6], $0x4FFFF;
	_ =	strace $0x90000046  }
0xb1: {  	s29 =	simm.s32 $0x9;
	_ =	strace $0x80000048  }
0xb2: {  	_ =	swait.ge [sflag:s29], $0x1  }
0xb3: {  	[sflag:s29] =	ssyncadd.s32 $0xFFFFFFFF  }
0xb4: {  	_ =	strace $0x90000048  }
0xb5: {  	_ =	sfence  }
0xb6: {  	s30 =	sld [smem:$0x0];
	_ =	sdelay $0x2  }
0xb7: {  	s31 =	sshll.u32 s1, $0xD;
	s1 =	sshrl.u32 s1, $0x2  }
0xb8: {  	s3 =	sand.u32 $0x4000, s31;
	s1 =	sadd.s32 s1, s30  }
0xb9: {  	s0 =	sor.u32 s3, s0;
	s1 =	sshll.u32 s1, $0x11  }
0xba: {  	s0 =	sor.u32 s1, s0  }
0xbb: {  	s0 =	sadd.s32 $0x8F2B, s0  }
0xbc: {  	[sflag:s0] =	ssyncadd.remote.s32 $0x1  }
0xbd: {  	_ =	sfence.sel $0xFFFF  }
0xbe: {  	[dreg:$0x0] =	wrdreg $0xFFFFFFFF;
	(pc) =	sbr.abs _section_cstart, $3  }
0xbf: {  	[dreg:$0x1] =	wrdreg $0xFFFFFFFF  }
0xc0: {  	_ =	task.clear_ibuf [dreg:s6], $0x2FFFF;
	_ =	strace $0x9FFFFFFF  }
0xc1: {  	(tm) =	ssettm $0x7FFFFFFF  }
tec
execute0_lowered:
.L_overlay_start_1:
0x0: {  	(tag) =	ssettag $0x1  }
0x1: {  	s1 =	srdreg.scid;
	s0 =	stileid.u32  }
0x2: {  	s4 =	rddreg [dreg:$0x0];
	s3 =	sand.u32 $0x1, s1;
	s30 =	sshll.u32 s0, $0x1  }
0x3: {  	s2 =	simm.s32 $0x0;
	s8 =	simm.s32 $0x0;
	s5 =	sor.u32 s3, s30  }
0x4: {  	s1 =	rddreg [dreg:$0x1];
	s3 =	ssub.s32 $0x2, s3;
	s6 =	smul.u32 $0x4E2, s5  }
0x5: {  	[smem:$0x7FF] =	sst s2;
	s5 =	smul.u32 $0x4F0, s5;
	s7 =	sshrl.u32 s3, $0x1  }
0x6: {  	_ =	strace $0x80000047;
	s31 =	ssub.s32 s3, s7;
	s7 =	simm.s32 $0x2780  }
0x7: {  	s6 =	sadd.s32 s6, s4;
	s4 =	sadd.s32 s5, s4;
	s5 =	smax.u32 s31, $0x1  }
0x8: {  	v0 =	vimm.f32 $0.0e+00;
	v1 =	vimm.f32 $1.000000000e+00;
	s3 =	sadd.s32 $0x3000, s6;
	s4 =	sadd.s32 $0xCE00, s4;
	s6 =	simm.s32 $0x1  }
.LBB2_1:
0x9: {  	s9 =	simm.s32 $0x40;
	s10 =	simm.s32 $0x0  }
.LBB2_2:
0xa: {  	p0 =	sne.s32 s9, $0x9C00;
	[tilespmem:s10+$0x2780] =	vst v0;
	s10 =	smov.u32 s9;
	s9 =	sadd.s32 $0x40, s9  }
.Ltmp0:
0xb: {  	(pc) =	sbr.rel @p0 .LBB2_2-.Ltmp0, $2  }
0xc: {  	_ =	sdelay $0x2  }
0xd: {  	s10 =	sshra.s32 s10, $0x2  }
0xe: {  	[tilespmem:s10+$0x2780] =	vst v0;
	s9 =	simm.s32 $0x0  }
0xf: {  	[tilespmem:s9], [sflag:$0x1] =	stream.linear.gather [hbm4b:s3+s9], $0x2710, $0x38;
	[tilespmem:$0x4F00] =	vst v63  }
0x10: {  	_ =	swait.ge [sflag:s6], $0x2710  }
0x11: {  	[sflag:s6] =	ssyncset.done $0x0  }
0x12: {  	s10 =	simm.s32 $0x0;
	s9 =	simm.s32 $0x40;
	[sflag:s6] =	ssyncadd.s32 $0xFFFFD8F0  }
.LBB2_4:
0x13: {  	p0 =	sne.s32 s9, $0x9C00;
	v2 =	vld [tilespmem:s10+$0x0];
	_ =	sdelay $0x3  }
.Ltmp1:
0x14: {  	(pc) =	sbr.rel @p0 .LBB2_4-.Ltmp1, $2  }
0x15: {  	_ =	sdelay $0x2  }
0x16: {  	s10 =	sshra.s32 s9, $0x2;
	s9 =	sadd.s32 $0x40, s9;
	[tilespmem:v2+s7+$0x0] =	vst.idx.add.f32.msk $0xffff, v1  }
0x17: {  	v2 =	vld [tilespmem:s10+$0x0];
	_ =	sdelay $0x5  }
0x18: {  	s8 =	sadd.s32 $0x1, s8  }
0x19: {  	p0 =	sne.s32 s8, s5  }
.Ltmp2:
0x1a: {  	[tilespmem:v2+s7+$0x0] =	vst.idx.add.f32.msk $0xffff, v1;
	(pc) =	sbr.rel @p0 .LBB2_1-.Ltmp2, $4  }
0x1b: {  	[hbm4b:s4+s2] =	stream.linear.scatter [tilespmem:s7], [sflag:$0x1], $0x2780, $0x38;
	[tilespmem:$0x4F00] =	vst v63  }
0x1c: {  	_ =	swait.ge [sflag:s6], $0x2780  }
0x1d: {  	[sflag:s6] =	ssyncset.done $0x0  }
0x1e: {  	[sflag:s6] =	ssyncadd.s32 $0xFFFFD880  }
0x1f: {  	_ =	sfence.sel $0x180000  }
0x20: {  	[bflag:$0x0] =	sbarrier.arrive $0xFFFF  }
0x21: {  	p0 =	sne.s32 s0, $0x0;
	_ =	strace $0x90000047  }
0x22: {  	s0 =	sadd.s32 @!p0 $0x100000, s1;
	[bflag:$0x2] =	sbarrier.arrive $0xFFFF  }
0x23: {  	[sflag:s0] =	ssyncadd.tile.s32 @!p0 $0x1;
	_ =	shalt  }
.Lfunc_end2:
_tile_overlayer_lowered:
.L_overlay_start_2:
0x24: {  	(tag) =	ssettag $0x2  }
0x25: {  	s0 =	rddreg [dreg:$0x0];
	s2 =	stileid.u32  }
0x26: {  	s1 =	rddreg [dreg:$0x1];
	p0 =	sne.s32 s2, $0x0  }
0x27: {  	s3 =	rddreg [dreg:$0x2];
	[bflag:$0x3] =	sbarrier.arrive $0xFFFF;
	s2 =	simm.s32 @!p0 $0x1C01  }
0x28: {  	[timem:s3], [sflag:s2] =	dma.local @!p0 [hbm:s0], s1  }
0x29: {  	s0 =	simm.s32 @!p0 $0x1  }
0x2a: {  	_ =	swait.ge @!p0 [sflag:s0], s1  }
0x2b: {  	s1 =	ssub.s32 @!p0 $0x0, s1;
	[sflag:s0] =	ssyncset.done @!p0 $0x0  }
0x2c: {  	[sflag:s0] =	ssyncadd.s32 @!p0 s1  }
0x2d: {  	[bflag:$0x3] =	sbarrier.arrive $0xFFFF  }
0x2e: {  	_ =	shalt  }

</sc_bundles>
